<compile_context>
chip_gen: v7x
topology: tpu7x:2x2x1
jax: 0.10.2.dev20260603
libtpu: 0.0.44.dev20260713+nightly
codegen_flags: <defaults>
</compile_context>

<pallas_src>
import functools
import jax
import jax.numpy as jnp
from jax import lax
from jax.experimental import pallas as pl
from jax.experimental.pallas import tpu as pltpu
from jax.experimental.pallas import tpu_sc as plsc

B, N, D = 4096, 128, 64
ROW = N * D
NC, NS = 2, 16
NW = NC * NS
SC_B = 1664
BPW = SC_B // NW
CH = 2
NCHUNK = BPW // CH
CHW = CH * ROW
TC_ROWS = (B - SC_B) * D
BLKR = 1024
WEIGHT = 0.05


def _sc_body(x_hbm, out_hbm, buf0, buf1, acc_v, sem0, sem1):
    wid = lax.axis_index("s") * NC + lax.axis_index("c")
    base = wid * (BPW * ROW)
    zero = jnp.zeros((16,), jnp.float32)
    mask = jnp.where(lax.iota(jnp.int32, 16) < 15, 1.0, 0.0).astype(jnp.float32)

    buf0[pl.ds(CHW, 16)] = zero
    buf1[pl.ds(CHW, 16)] = zero

    def start(c, buf, sem):
        pltpu.async_copy(x_hbm.at[pl.ds(base + c * CHW, CHW)],
                         buf.at[pl.ds(0, CHW)], sem)

    def wait(buf, sem):
        pltpu.make_async_copy(x_hbm.at[pl.ds(base, CHW)],
                              buf.at[pl.ds(0, CHW)], sem).wait()

    def compute(buf, accs):
        @plsc.parallel_loop(0, CHW, N, unroll=4, carry=accs)
        def accs(o, accs):
            new = list(accs)
            for j in range(8):
                va = buf[pl.ds(o + 16 * j, 16)]
                vs = buf[pl.ds(o + 16 * j + 1, 16)]
                d = va - vs
                if j == 7:
                    d = d * mask
                new[j] = new[j] + d * d
            return tuple(new)
        return accs

    start(0, buf0, sem0)

    def outer(g, accs):
        c0 = 2 * g
        wait(buf0, sem0)
        start(c0 + 1, buf1, sem1)
        accs = compute(buf0, accs)
        wait(buf1, sem1)

        @pl.when(c0 + 2 < NCHUNK)
        def _():
            start(c0 + 2, buf0, sem0)

        return compute(buf1, accs)

    accs = lax.fori_loop(0, NCHUNK // 2, outer, (zero,) * 8)
    acc_v[...] = ((accs[0] + accs[1]) + (accs[2] + accs[3])) + \
                 ((accs[4] + accs[5]) + (accs[6] + accs[7]))
    pltpu.sync_copy(acc_v, out_hbm.at[wid])


def _tc_body(*refs):
    out_ref = refs[-1]
    i = pl.program_id(0)

    @pl.when(i == 0)
    def _():
        out_ref[...] = jnp.zeros((8, N), jnp.float32)

    mask = (lax.broadcasted_iota(jnp.int32, (8, N), 1) < N - 1)
    part = jnp.zeros((8, N), jnp.float32)
    for ref in refs[:-1]:
        x = ref[...]
        xs = pltpu.roll(x, N - 1, 1)
        d = x - xs
        d2 = d * d
        part = part + jnp.sum(d2.reshape(8, BLKR // 8, N), axis=1)
    out_ref[...] += jnp.where(mask, part, 0.0)


@jax.jit
def kernel(coords):
    xt = coords.transpose(0, 2, 1)
    x = xt.reshape(B * ROW)
    x2 = xt.reshape(B * D, N)

    mesh = plsc.VectorSubcoreMesh(core_axis_name="c", subcore_axis_name="s",
                                  num_cores=NC, num_subcores=NS)
    sc_partials = pl.kernel(
        _sc_body,
        out_type=jax.ShapeDtypeStruct((NW, 16), jnp.float32),
        mesh=mesh,
        scratch_types=[
            pltpu.VMEM((CHW + 16,), jnp.float32),
            pltpu.VMEM((CHW + 16,), jnp.float32),
            pltpu.VMEM((16,), jnp.float32),
            pltpu.SemaphoreType.DMA,
            pltpu.SemaphoreType.DMA,
        ],
    )(x)

    row0 = SC_B * D // BLKR
    nstream = 8
    g = TC_ROWS // BLKR // nstream
    specs = [pl.BlockSpec((BLKR, N), lambda i, _k=k, _g=g: (row0 + _k * _g + i, 0))
             for k in range(nstream)]
    tc_part = pl.pallas_call(
        _tc_body,
        out_shape=jax.ShapeDtypeStruct((8, N), jnp.float32),
        grid=(g,),
        in_specs=specs,
        out_specs=pl.BlockSpec((8, N), lambda i: (0, 0)),
    )(*([x2] * nstream))

    total = jnp.sum(sc_partials) + jnp.sum(tc_part)
    return (WEIGHT / (B * (N - 1))) * total

# --- scband reference (transcript-rebuilt; emitter-appended) ---
"""Pipeline reference for scband-laplacian-topo-loss-20418274525533 (READ-ONLY COPY).

The authoritative reference and input builder live on the scoring server;
editing this copy changes nothing except your own understanding.
"""

import jax, jax.numpy as jnp
import numpy as np

EDGES = np.stack([np.arange(127, dtype=np.int64), np.arange(1, 128, dtype=np.int64)], axis=1)  # 127 chain edges over 128 nodes
WEIGHT = 0.05

def setup_inputs(seed: int = 0) -> dict:
    key = jax.random.key(seed)
    coords = jax.random.normal(key, (4096, 128, 64), dtype=jnp.float32)
    return {"coords": coords}

def reference(coords):
    # Faithful vectorized translation of the per-edge python loop:
    # for (u, v) in edges: ((coords[:, u] - coords[:, v])**2).sum(-1), then stack + mean.
    u_idx = jnp.asarray(EDGES[:, 0])
    v_idx = jnp.asarray(EDGES[:, 1])
    cu = jnp.take(coords, u_idx, axis=1)  # [B, E, D] gather
    cv = jnp.take(coords, v_idx, axis=1)  # [B, E, D] gather
    diffs = jnp.sum((cu - cv) ** 2, axis=-1)  # [B, E]
    lap = jnp.mean(diffs)
    return WEIGHT * lap

if __name__ == "__main__":
    import jax
    _d = setup_inputs()
    print(jax.jit(kernel)(*tuple(_d.values())))

</pallas_src>

<mosaic_0001>
#map = affine_map<(d0, d1) -> (0)>
#map1 = affine_map<(d0, d1) -> (0, 0)>
module attributes {stable_mosaic.version = 14 : i64} {
  func.func @_sc_body(%arg0: i32, %arg1: i32, %arg2: memref<33554432xf32, #tpu.memory_space<hbm>>, %arg3: memref<32x16xf32, #tpu.memory_space<hbm>>, %arg4: memref<16400xf32, #tpu.memory_space<vmem>>, %arg5: memref<16400xf32, #tpu.memory_space<vmem>>, %arg6: memref<16xf32, #tpu.memory_space<vmem>>, %arg7: memref<!tpu.dma_semaphore, #tpu.memory_space<semaphore_mem>>, %arg8: memref<!tpu.dma_semaphore, #tpu.memory_space<semaphore_mem>>) attributes {dimension_semantics = [#tpu.dimension_semantics<core_parallel>, #tpu.dimension_semantics<subcore_parallel>], iteration_bounds = array<i64: 2, 16>, scalar_prefetch = 0 : i64, scratch_operands = 5 : i64, tpu.core_type = #tpu.core_type<sc_vector_subcore>, window_params = [{transform_indices = #map}, {transform_indices = #map1}]} {
    %mul3A = arith.constant 2 : i32
    %mul3A_0 = arith.muli %arg1, %mul3A : i32
    %add3A = arith.addi %mul3A_0, %arg0 : i32
    %mul3A_1 = arith.constant 425984 : i32
    %mul3A_2 = arith.muli %add3A, %mul3A_1 : i32
    %broadcast_in_dim3A = arith.constant 0.000000e+00 : f32
    %broadcast_in_dim3A_3 = vector.broadcast %broadcast_in_dim3A : f32 to vector<16xf32>
    %iota3A = tpu.iota {dimensions = array<i32: 0>} : vector<16xi32>
    %lt3A = arith.constant 15 : i32
    %lt3A_4 = vector.broadcast %lt3A : i32 to vector<16xi32>
    %lt3A_5 = arith.cmpi slt, %iota3A, %lt3A_4 : vector<16xi32>
    %jit3A = arith.constant 1.000000e+00 : f32
    %jit3A_6 = arith.constant 0.000000e+00 : f32
    %broadcast_in_dim3A_7 = vector.broadcast %jit3A : f32 to vector<16xf32>
    %broadcast_in_dim3A_8 = vector.broadcast %jit3A_6 : f32 to vector<16xf32>
    %select_n3A = arith.select %lt3A_5, %broadcast_in_dim3A_7, %broadcast_in_dim3A_8 : vector<16xi1>, vector<16xf32>
    %swap3A = arith.constant 16384 : index
    %swap3A_9 = tpu.vector_load %arg4[%swap3A] {strides = array<i32>} : memref<16400xf32, #tpu.memory_space<vmem>>, vector<16xf32>,
    %swap3A_10 = vector.shape_cast %swap3A_9 : vector<16xf32> to vector<16xf32>
    %swap3A_11 = vector.shape_cast %broadcast_in_dim3A_3 : vector<16xf32> to vector<16xf32>
    tpu.vector_store %arg4[%swap3A], %swap3A_11 {strides = array<i32>} : memref<16400xf32, #tpu.memory_space<vmem>>, vector<16xf32>,
    %swap3A_12 = arith.constant 16384 : index
    %swap3A_13 = tpu.vector_load %arg5[%swap3A_12] {strides = array<i32>} : memref<16400xf32, #tpu.memory_space<vmem>>, vector<16xf32>,
    %swap3A_14 = vector.shape_cast %swap3A_13 : vector<16xf32> to vector<16xf32>
    %swap3A_15 = vector.shape_cast %broadcast_in_dim3A_3 : vector<16xf32> to vector<16xf32>
    tpu.vector_store %arg5[%swap3A_12], %swap3A_15 {strides = array<i32>} : memref<16400xf32, #tpu.memory_space<vmem>>, vector<16xf32>,
    %add3A_16 = arith.constant 0 : i32
    %add3A_17 = arith.addi %mul3A_2, %add3A_16 : i32
    %dma_start3A = arith.constant 0 : i32
    %dma_start3A_18 = tpu.memref_slice %arg4[%dma_start3A] : memref<16400xf32, #tpu.memory_space<vmem>> -> memref<16384xf32, #tpu.memory_space<vmem>>
    %dma_start3A_19 = tpu.memref_slice %arg2[%add3A_17] : memref<33554432xf32, #tpu.memory_space<hbm>> -> memref<16384xf32, #tpu.memory_space<hbm>>
    %dma_start3A_20 = arith.constant 0 : i32
    %dma_start3A_21 = tpu.memref_slice %arg4[%dma_start3A_20] : memref<16400xf32, #tpu.memory_space<vmem>> -> memref<16384xf32, #tpu.memory_space<vmem>>
    %dma_start3A_22 = tpu.memref_slice %arg2[%add3A_17] : memref<33554432xf32, #tpu.memory_space<hbm>> -> memref<16384xf32, #tpu.memory_space<hbm>>
    tpu.enqueue_dma source(%dma_start3A_22 : memref<16384xf32, #tpu.memory_space<hbm>>) target(%dma_start3A_21 : memref<16384xf32, #tpu.memory_space<vmem>>) target_semaphore(%arg7 : memref<!tpu.dma_semaphore, #tpu.memory_space<semaphore_mem>>)
    %scan3A = arith.constant 0 : i32
    %scan3A_23 = arith.constant 13 : i32
    %scan3A_24 = arith.addi %scan3A, %scan3A_23 : i32
    %scan3A_25 = arith.constant 1 : i32
    %scan3A_26:8 = scf.for %scan3A_39 = %scan3A to %scan3A_24 step %scan3A_25 iter_args(%scan3A_40 = %broadcast_in_dim3A_3, %scan3A_41 = %broadcast_in_dim3A_3, %scan3A_42 = %broadcast_in_dim3A_3, %scan3A_43 = %broadcast_in_dim3A_3, %scan3A_44 = %broadcast_in_dim3A_3, %scan3A_45 = %broadcast_in_dim3A_3, %scan3A_46 = %broadcast_in_dim3A_3, %scan3A_47 = %broadcast_in_dim3A_3) -> (vector<16xf32>, vector<16xf32>, vector<16xf32>, vector<16xf32>, vector<16xf32>, vector<16xf32>, vector<16xf32>, vector<16xf32>)  : i32 {
      %mul3A_48 = arith.constant 2 : i32
      %mul3A_49 = arith.muli %mul3A_48, %scan3A_39 : i32
      %dma_wait3A = arith.constant 0 : i32
      %dma_wait3A_50 = tpu.memref_slice %arg4[%dma_wait3A] : memref<16400xf32, #tpu.memory_space<vmem>> -> memref<16384xf32, #tpu.memory_space<vmem>>
      %dma_wait3A_51 = tpu.memref_slice %arg2[%mul3A_2] : memref<33554432xf32, #tpu.memory_space<hbm>> -> memref<16384xf32, #tpu.memory_space<hbm>>
      %dma_wait3A_52 = arith.constant 0 : i32
      %dma_wait3A_53 = tpu.memref_slice %arg4[%dma_wait3A_52] : memref<16400xf32, #tpu.memory_space<vmem>> -> memref<16384xf32, #tpu.memory_space<vmem>>
      %dma_wait3A_54 = tpu.memref_slice %arg2[%mul3A_2] : memref<33554432xf32, #tpu.memory_space<hbm>> -> memref<16384xf32, #tpu.memory_space<hbm>>
      tpu.wait_dma2 semaphore(%arg7 : memref<!tpu.dma_semaphore, #tpu.memory_space<semaphore_mem>>) src(%dma_wait3A_54 : memref<16384xf32, #tpu.memory_space<hbm>>) dst(%dma_wait3A_53 : memref<16384xf32, #tpu.memory_space<vmem>>)
      %add3A_55 = arith.constant 1 : i32
      %add3A_56 = arith.addi %mul3A_49, %add3A_55 : i32
      %mul3A_57 = arith.constant 16384 : i32
      %mul3A_58 = arith.muli %add3A_56, %mul3A_57 : i32
      %add3A_59 = arith.addi %mul3A_2, %mul3A_58 : i32
      %dma_start3A_60 = arith.constant 0 : i32
      %dma_start3A_61 = tpu.memref_slice %arg5[%dma_start3A_60] : memref<16400xf32, #tpu.memory_space<vmem>> -> memref<16384xf32, #tpu.memory_space<vmem>>
      %dma_start3A_62 = tpu.memref_slice %arg2[%add3A_59] : memref<33554432xf32, #tpu.memory_space<hbm>> -> memref<16384xf32, #tpu.memory_space<hbm>>
      %dma_start3A_63 = arith.constant 0 : i32
      %dma_start3A_64 = tpu.memref_slice %arg5[%dma_start3A_63] : memref<16400xf32, #tpu.memory_space<vmem>> -> memref<16384xf32, #tpu.memory_space<vmem>>
      %dma_start3A_65 = tpu.memref_slice %arg2[%add3A_59] : memref<33554432xf32, #tpu.memory_space<hbm>> -> memref<16384xf32, #tpu.memory_space<hbm>>
      tpu.enqueue_dma source(%dma_start3A_65 : memref<16384xf32, #tpu.memory_space<hbm>>) target(%dma_start3A_64 : memref<16384xf32, #tpu.memory_space<vmem>>) target_semaphore(%arg8 : memref<!tpu.dma_semaphore, #tpu.memory_space<semaphore_mem>>)
      %parallel_loop3A = arith.constant 0 : i32
      %parallel_loop3A_66 = arith.constant 16384 : i32
      %parallel_loop3A_67 = arith.constant 128 : i32
      %parallel_loop3A_68:8 = scf.for %parallel_loop3A_84 = %parallel_loop3A to %parallel_loop3A_66 step %parallel_loop3A_67 iter_args(%parallel_loop3A_85 = %scan3A_40, %parallel_loop3A_86 = %scan3A_41, %parallel_loop3A_87 = %scan3A_42, %parallel_loop3A_88 = %scan3A_43, %parallel_loop3A_89 = %scan3A_44, %parallel_loop3A_90 = %scan3A_45, %parallel_loop3A_91 = %scan3A_46, %parallel_loop3A_92 = %scan3A_47) -> (vector<16xf32>, vector<16xf32>, vector<16xf32>, vector<16xf32>, vector<16xf32>, vector<16xf32>, vector<16xf32>, vector<16xf32>)  : i32 {
        %parallel_loop3A_93 = arith.constant 0 : i32
        %parallel_loop3A_94 = arith.addi %parallel_loop3A_84, %parallel_loop3A_93 : i32
        %parallel_loop3A_95 = arith.index_cast %parallel_loop3A_94 : i32 to index
        %parallel_loop3A_96 = tpu.vector_load %arg4[%parallel_loop3A_95] {strides = array<i32>} : memref<16400xf32, #tpu.memory_space<vmem>>, vector<16xf32>,
        %parallel_loop3A_97 = vector.shape_cast %parallel_loop3A_96 : vector<16xf32> to vector<16xf32>
        %parallel_loop3A_98 = arith.constant 0 : i32
        %parallel_loop3A_99 = arith.addi %parallel_loop3A_84, %parallel_loop3A_98 : i32
        %parallel_loop3A_100 = arith.constant 1 : i32
        %parallel_loop3A_101 = arith.addi %parallel_loop3A_99, %parallel_loop3A_100 : i32
        %parallel_loop3A_102 = arith.index_cast %parallel_loop3A_101 : i32 to index
        %parallel_loop3A_103 = tpu.vector_load %arg4[%parallel_loop3A_102] {strides = array<i32>} : memref<16400xf32, #tpu.memory_space<vmem>>, vector<16xf32>,
        %parallel_loop3A_104 = vector.shape_cast %parallel_loop3A_103 : vector<16xf32> to vector<16xf32>
        %parallel_loop3A_105 = arith.subf %parallel_loop3A_97, %parallel_loop3A_104 : vector<16xf32>
        %parallel_loop3A_106 = arith.mulf %parallel_loop3A_105, %parallel_loop3A_105 : vector<16xf32>
        %parallel_loop3A_107 = arith.addf %parallel_loop3A_85, %parallel_loop3A_106 : vector<16xf32>
        %parallel_loop3A_108 = arith.constant 16 : i32
        %parallel_loop3A_109 = arith.addi %parallel_loop3A_84, %parallel_loop3A_108 : i32
        %parallel_loop3A_110 = arith.index_cast %parallel_loop3A_109 : i32 to index
        %parallel_loop3A_111 = tpu.vector_load %arg4[%parallel_loop3A_110] {strides = array<i32>} : memref<16400xf32, #tpu.memory_space<vmem>>, vector<16xf32>,
        %parallel_loop3A_112 = vector.shape_cast %parallel_loop3A_111 : vector<16xf32> to vector<16xf32>
        %parallel_loop3A_113 = arith.constant 16 : i32
        %parallel_loop3A_114 = arith.addi %parallel_loop3A_84, %parallel_loop3A_113 : i32
        %parallel_loop3A_115 = arith.constant 1 : i32
        %parallel_loop3A_116 = arith.addi %parallel_loop3A_114, %parallel_loop3A_115 : i32
        %parallel_loop3A_117 = arith.index_cast %parallel_loop3A_116 : i32 to index
        %parallel_loop3A_118 = tpu.vector_load %arg4[%parallel_loop3A_117] {strides = array<i32>} : memref<16400xf32, #tpu.memory_space<vmem>>, vector<16xf32>,
        %parallel_loop3A_119 = vector.shape_cast %parallel_loop3A_118 : vector<16xf32> to vector<16xf32>
        %parallel_loop3A_120 = arith.subf %parallel_loop3A_112, %parallel_loop3A_119 : vector<16xf32>
        %parallel_loop3A_121 = arith.mulf %parallel_loop3A_120, %parallel_loop3A_120 : vector<16xf32>
        %parallel_loop3A_122 = arith.addf %parallel_loop3A_86, %parallel_loop3A_121 : vector<16xf32>
        %parallel_loop3A_123 = arith.constant 32 : i32
        %parallel_loop3A_124 = arith.addi %parallel_loop3A_84, %parallel_loop3A_123 : i32
        %parallel_loop3A_125 = arith.index_cast %parallel_loop3A_124 : i32 to index
        %parallel_loop3A_126 = tpu.vector_load %arg4[%parallel_loop3A_125] {strides = array<i32>} : memref<16400xf32, #tpu.memory_space<vmem>>, vector<16xf32>,
        %parallel_loop3A_127 = vector.shape_cast %parallel_loop3A_126 : vector<16xf32> to vector<16xf32>
        %parallel_loop3A_128 = arith.constant 32 : i32
        %parallel_loop3A_129 = arith.addi %parallel_loop3A_84, %parallel_loop3A_128 : i32
        %parallel_loop3A_130 = arith.constant 1 : i32
        %parallel_loop3A_131 = arith.addi %parallel_loop3A_129, %parallel_loop3A_130 : i32
        %parallel_loop3A_132 = arith.index_cast %parallel_loop3A_131 : i32 to index
        %parallel_loop3A_133 = tpu.vector_load %arg4[%parallel_loop3A_132] {strides = array<i32>} : memref<16400xf32, #tpu.memory_space<vmem>>, vector<16xf32>,
        %parallel_loop3A_134 = vector.shape_cast %parallel_loop3A_133 : vector<16xf32> to vector<16xf32>
        %parallel_loop3A_135 = arith.subf %parallel_loop3A_127, %parallel_loop3A_134 : vector<16xf32>
        %parallel_loop3A_136 = arith.mulf %parallel_loop3A_135, %parallel_loop3A_135 : vector<16xf32>
        %parallel_loop3A_137 = arith.addf %parallel_loop3A_87, %parallel_loop3A_136 : vector<16xf32>
        %parallel_loop3A_138 = arith.constant 48 : i32
        %parallel_loop3A_139 = arith.addi %parallel_loop3A_84, %parallel_loop3A_138 : i32
        %parallel_loop3A_140 = arith.index_cast %parallel_loop3A_139 : i32 to index
        %parallel_loop3A_141 = tpu.vector_load %arg4[%parallel_loop3A_140] {strides = array<i32>} : memref<16400xf32, #tpu.memory_space<vmem>>, vector<16xf32>,
        %parallel_loop3A_142 = vector.shape_cast %parallel_loop3A_141 : vector<16xf32> to vector<16xf32>
        %parallel_loop3A_143 = arith.constant 48 : i32
        %parallel_loop3A_144 = arith.addi %parallel_loop3A_84, %parallel_loop3A_143 : i32
        %parallel_loop3A_145 = arith.constant 1 : i32
        %parallel_loop3A_146 = arith.addi %parallel_loop3A_144, %parallel_loop3A_145 : i32
        %parallel_loop3A_147 = arith.index_cast %parallel_loop3A_146 : i32 to index
        %parallel_loop3A_148 = tpu.vector_load %arg4[%parallel_loop3A_147] {strides = array<i32>} : memref<16400xf32, #tpu.memory_space<vmem>>, vector<16xf32>,
        %parallel_loop3A_149 = vector.shape_cast %parallel_loop3A_148 : vector<16xf32> to vector<16xf32>
        %parallel_loop3A_150 = arith.subf %parallel_loop3A_142, %parallel_loop3A_149 : vector<16xf32>
        %parallel_loop3A_151 = arith.mulf %parallel_loop3A_150, %parallel_loop3A_150 : vector<16xf32>
        %parallel_loop3A_152 = arith.addf %parallel_loop3A_88, %parallel_loop3A_151 : vector<16xf32>
        %parallel_loop3A_153 = arith.constant 64 : i32
        %parallel_loop3A_154 = arith.addi %parallel_loop3A_84, %parallel_loop3A_153 : i32
        %parallel_loop3A_155 = arith.index_cast %parallel_loop3A_154 : i32 to index
        %parallel_loop3A_156 = tpu.vector_load %arg4[%parallel_loop3A_155] {strides = array<i32>} : memref<16400xf32, #tpu.memory_space<vmem>>, vector<16xf32>,
        %parallel_loop3A_157 = vector.shape_cast %parallel_loop3A_156 : vector<16xf32> to vector<16xf32>
        %parallel_loop3A_158 = arith.constant 64 : i32
        %parallel_loop3A_159 = arith.addi %parallel_loop3A_84, %parallel_loop3A_158 : i32
        %parallel_loop3A_160 = arith.constant 1 : i32
        %parallel_loop3A_161 = arith.addi %parallel_loop3A_159, %parallel_loop3A_160 : i32
        %parallel_loop3A_162 = arith.index_cast %parallel_loop3A_161 : i32 to index
        %parallel_loop3A_163 = tpu.vector_load %arg4[%parallel_loop3A_162] {strides = array<i32>} : memref<16400xf32, #tpu.memory_space<vmem>>, vector<16xf32>,
        %parallel_loop3A_164 = vector.shape_cast %parallel_loop3A_163 : vector<16xf32> to vector<16xf32>
        %parallel_loop3A_165 = arith.subf %parallel_loop3A_157, %parallel_loop3A_164 : vector<16xf32>
        %parallel_loop3A_166 = arith.mulf %parallel_loop3A_165, %parallel_loop3A_165 : vector<16xf32>
        %parallel_loop3A_167 = arith.addf %parallel_loop3A_89, %parallel_loop3A_166 : vector<16xf32>
        %parallel_loop3A_168 = arith.constant 80 : i32
        %parallel_loop3A_169 = arith.addi %parallel_loop3A_84, %parallel_loop3A_168 : i32
        %parallel_loop3A_170 = arith.index_cast %parallel_loop3A_169 : i32 to index
        %parallel_loop3A_171 = tpu.vector_load %arg4[%parallel_loop3A_170] {strides = array<i32>} : memref<16400xf32, #tpu.memory_space<vmem>>, vector<16xf32>,
        %parallel_loop3A_172 = vector.shape_cast %parallel_loop3A_171 : vector<16xf32> to vector<16xf32>
        %parallel_loop3A_173 = arith.constant 80 : i32
        %parallel_loop3A_174 = arith.addi %parallel_loop3A_84, %parallel_loop3A_173 : i32
        %parallel_loop3A_175 = arith.constant 1 : i32
        %parallel_loop3A_176 = arith.addi %parallel_loop3A_174, %parallel_loop3A_175 : i32
        %parallel_loop3A_177 = arith.index_cast %parallel_loop3A_176 : i32 to index
        %parallel_loop3A_178 = tpu.vector_load %arg4[%parallel_loop3A_177] {strides = array<i32>} : memref<16400xf32, #tpu.memory_space<vmem>>, vector<16xf32>,
        %parallel_loop3A_179 = vector.shape_cast %parallel_loop3A_178 : vector<16xf32> to vector<16xf32>
        %parallel_loop3A_180 = arith.subf %parallel_loop3A_172, %parallel_loop3A_179 : vector<16xf32>
        %parallel_loop3A_181 = arith.mulf %parallel_loop3A_180, %parallel_loop3A_180 : vector<16xf32>
        %parallel_loop3A_182 = arith.addf %parallel_loop3A_90, %parallel_loop3A_181 : vector<16xf32>
        %parallel_loop3A_183 = arith.constant 96 : i32
        %parallel_loop3A_184 = arith.addi %parallel_loop3A_84, %parallel_loop3A_183 : i32
        %parallel_loop3A_185 = arith.index_cast %parallel_loop3A_184 : i32 to index
        %parallel_loop3A_186 = tpu.vector_load %arg4[%parallel_loop3A_185] {strides = array<i32>} : memref<16400xf32, #tpu.memory_space<vmem>>, vector<16xf32>,
        %parallel_loop3A_187 = vector.shape_cast %parallel_loop3A_186 : vector<16xf32> to vector<16xf32>
        %parallel_loop3A_188 = arith.constant 96 : i32
        %parallel_loop3A_189 = arith.addi %parallel_loop3A_84, %parallel_loop3A_188 : i32
        %parallel_loop3A_190 = arith.constant 1 : i32
        %parallel_loop3A_191 = arith.addi %parallel_loop3A_189, %parallel_loop3A_190 : i32
        %parallel_loop3A_192 = arith.index_cast %parallel_loop3A_191 : i32 to index
        %parallel_loop3A_193 = tpu.vector_load %arg4[%parallel_loop3A_192] {strides = array<i32>} : memref<16400xf32, #tpu.memory_space<vmem>>, vector<16xf32>,
        %parallel_loop3A_194 = vector.shape_cast %parallel_loop3A_193 : vector<16xf32> to vector<16xf32>
        %parallel_loop3A_195 = arith.subf %parallel_loop3A_187, %parallel_loop3A_194 : vector<16xf32>
        %parallel_loop3A_196 = arith.mulf %parallel_loop3A_195, %parallel_loop3A_195 : vector<16xf32>
        %parallel_loop3A_197 = arith.addf %parallel_loop3A_91, %parallel_loop3A_196 : vector<16xf32>
        %parallel_loop3A_198 = arith.constant 112 : i32
        %parallel_loop3A_199 = arith.addi %parallel_loop3A_84, %parallel_loop3A_198 : i32
        %parallel_loop3A_200 = arith.index_cast %parallel_loop3A_199 : i32 to index
        %parallel_loop3A_201 = tpu.vector_load %arg4[%parallel_loop3A_200] {strides = array<i32>} : memref<16400xf32, #tpu.memory_space<vmem>>, vector<16xf32>,
        %parallel_loop3A_202 = vector.shape_cast %parallel_loop3A_201 : vector<16xf32> to vector<16xf32>
        %parallel_loop3A_203 = arith.constant 112 : i32
        %parallel_loop3A_204 = arith.addi %parallel_loop3A_84, %parallel_loop3A_203 : i32
        %parallel_loop3A_205 = arith.constant 1 : i32
        %parallel_loop3A_206 = arith.addi %parallel_loop3A_204, %parallel_loop3A_205 : i32
        %parallel_loop3A_207 = arith.index_cast %parallel_loop3A_206 : i32 to index
        %parallel_loop3A_208 = tpu.vector_load %arg4[%parallel_loop3A_207] {strides = array<i32>} : memref<16400xf32, #tpu.memory_space<vmem>>, vector<16xf32>,
        %parallel_loop3A_209 = vector.shape_cast %parallel_loop3A_208 : vector<16xf32> to vector<16xf32>
        %parallel_loop3A_210 = arith.subf %parallel_loop3A_202, %parallel_loop3A_209 : vector<16xf32>
        %parallel_loop3A_211 = arith.mulf %parallel_loop3A_210, %select_n3A : vector<16xf32>
        %parallel_loop3A_212 = arith.mulf %parallel_loop3A_211, %parallel_loop3A_211 : vector<16xf32>
        %parallel_loop3A_213 = arith.addf %parallel_loop3A_92, %parallel_loop3A_212 : vector<16xf32>
        scf.yield %parallel_loop3A_107, %parallel_loop3A_122, %parallel_loop3A_137, %parallel_loop3A_152, %parallel_loop3A_167, %parallel_loop3A_182, %parallel_loop3A_197, %parallel_loop3A_213 : vector<16xf32>, vector<16xf32>, vector<16xf32>, vector<16xf32>, vector<16xf32>, vector<16xf32>, vector<16xf32>, vector<16xf32>
      } {sc.loop_unroll_factor = 4 : i64, sc.parallel_access}
      %dma_wait3A_69 = arith.constant 0 : i32
      %dma_wait3A_70 = tpu.memref_slice %arg5[%dma_wait3A_69] : memref<16400xf32, #tpu.memory_space<vmem>> -> memref<16384xf32, #tpu.memory_space<vmem>>
      %dma_wait3A_71 = tpu.memref_slice %arg2[%mul3A_2] : memref<33554432xf32, #tpu.memory_space<hbm>> -> memref<16384xf32, #tpu.memory_space<hbm>>
      %dma_wait3A_72 = arith.constant 0 : i32
      %dma_wait3A_73 = tpu.memref_slice %arg5[%dma_wait3A_72] : memref<16400xf32, #tpu.memory_space<vmem>> -> memref<16384xf32, #tpu.memory_space<vmem>>
      %dma_wait3A_74 = tpu.memref_slice %arg2[%mul3A_2] : memref<33554432xf32, #tpu.memory_space<hbm>> -> memref<16384xf32, #tpu.memory_space<hbm>>
      tpu.wait_dma2 semaphore(%arg8 : memref<!tpu.dma_semaphore, #tpu.memory_space<semaphore_mem>>) src(%dma_wait3A_74 : memref<16384xf32, #tpu.memory_space<hbm>>) dst(%dma_wait3A_73 : memref<16384xf32, #tpu.memory_space<vmem>>)
      %add3A_75 = arith.constant 2 : i32
      %add3A_76 = arith.addi %mul3A_49, %add3A_75 : i32
      %lt3A_77 = arith.constant 26 : i32
      %lt3A_78 = arith.cmpi slt, %add3A_76, %lt3A_77 : i32
      %convert_element_type3A = arith.extui %lt3A_78 : i1 to i32
      %cond3A = arith.constant 0 : i32
      %cond3A_79 = arith.cmpi ne, %convert_element_type3A, %cond3A : i32
      scf.if %cond3A_79 {
        %add3A_84 = arith.constant 2 : i32
        %add3A_85 = arith.addi %mul3A_49, %add3A_84 : i32
        %mul3A_86 = arith.constant 16384 : i32
        %mul3A_87 = arith.muli %add3A_85, %mul3A_86 : i32
        %add3A_88 = arith.addi %mul3A_2, %mul3A_87 : i32
        %dma_start3A_89 = arith.constant 0 : i32
        %dma_start3A_90 = tpu.memref_slice %arg4[%dma_start3A_89] : memref<16400xf32, #tpu.memory_space<vmem>> -> memref<16384xf32, #tpu.memory_space<vmem>>
        %dma_start3A_91 = tpu.memref_slice %arg2[%add3A_88] : memref<33554432xf32, #tpu.memory_space<hbm>> -> memref<16384xf32, #tpu.memory_space<hbm>>
        %dma_start3A_92 = arith.constant 0 : i32
        %dma_start3A_93 = tpu.memref_slice %arg4[%dma_start3A_92] : memref<16400xf32, #tpu.memory_space<vmem>> -> memref<16384xf32, #tpu.memory_space<vmem>>
        %dma_start3A_94 = tpu.memref_slice %arg2[%add3A_88] : memref<33554432xf32, #tpu.memory_space<hbm>> -> memref<16384xf32, #tpu.memory_space<hbm>>
        tpu.enqueue_dma source(%dma_start3A_94 : memref<16384xf32, #tpu.memory_space<hbm>>) target(%dma_start3A_93 : memref<16384xf32, #tpu.memory_space<vmem>>) target_semaphore(%arg7 : memref<!tpu.dma_semaphore, #tpu.memory_space<semaphore_mem>>)
      } else {
      }
      %parallel_loop3A_80 = arith.constant 0 : i32
      %parallel_loop3A_81 = arith.constant 16384 : i32
      %parallel_loop3A_82 = arith.constant 128 : i32
      %parallel_loop3A_83:8 = scf.for %parallel_loop3A_84 = %parallel_loop3A_80 to %parallel_loop3A_81 step %parallel_loop3A_82 iter_args(%parallel_loop3A_85 = %parallel_loop3A_68#0, %parallel_loop3A_86 = %parallel_loop3A_68#1, %parallel_loop3A_87 = %parallel_loop3A_68#2, %parallel_loop3A_88 = %parallel_loop3A_68#3, %parallel_loop3A_89 = %parallel_loop3A_68#4, %parallel_loop3A_90 = %parallel_loop3A_68#5, %parallel_loop3A_91 = %parallel_loop3A_68#6, %parallel_loop3A_92 = %parallel_loop3A_68#7) -> (vector<16xf32>, vector<16xf32>, vector<16xf32>, vector<16xf32>, vector<16xf32>, vector<16xf32>, vector<16xf32>, vector<16xf32>)  : i32 {
        %parallel_loop3A_93 = arith.constant 0 : i32
        %parallel_loop3A_94 = arith.addi %parallel_loop3A_84, %parallel_loop3A_93 : i32
        %parallel_loop3A_95 = arith.index_cast %parallel_loop3A_94 : i32 to index
        %parallel_loop3A_96 = tpu.vector_load %arg5[%parallel_loop3A_95] {strides = array<i32>} : memref<16400xf32, #tpu.memory_space<vmem>>, vector<16xf32>,
        %parallel_loop3A_97 = vector.shape_cast %parallel_loop3A_96 : vector<16xf32> to vector<16xf32>
        %parallel_loop3A_98 = arith.constant 0 : i32
        %parallel_loop3A_99 = arith.addi %parallel_loop3A_84, %parallel_loop3A_98 : i32
        %parallel_loop3A_100 = arith.constant 1 : i32
        %parallel_loop3A_101 = arith.addi %parallel_loop3A_99, %parallel_loop3A_100 : i32
        %parallel_loop3A_102 = arith.index_cast %parallel_loop3A_101 : i32 to index
        %parallel_loop3A_103 = tpu.vector_load %arg5[%parallel_loop3A_102] {strides = array<i32>} : memref<16400xf32, #tpu.memory_space<vmem>>, vector<16xf32>,
        %parallel_loop3A_104 = vector.shape_cast %parallel_loop3A_103 : vector<16xf32> to vector<16xf32>
        %parallel_loop3A_105 = arith.subf %parallel_loop3A_97, %parallel_loop3A_104 : vector<16xf32>
        %parallel_loop3A_106 = arith.mulf %parallel_loop3A_105, %parallel_loop3A_105 : vector<16xf32>
        %parallel_loop3A_107 = arith.addf %parallel_loop3A_85, %parallel_loop3A_106 : vector<16xf32>
        %parallel_loop3A_108 = arith.constant 16 : i32
        %parallel_loop3A_109 = arith.addi %parallel_loop3A_84, %parallel_loop3A_108 : i32
        %parallel_loop3A_110 = arith.index_cast %parallel_loop3A_109 : i32 to index
        %parallel_loop3A_111 = tpu.vector_load %arg5[%parallel_loop3A_110] {strides = array<i32>} : memref<16400xf32, #tpu.memory_space<vmem>>, vector<16xf32>,
        %parallel_loop3A_112 = vector.shape_cast %parallel_loop3A_111 : vector<16xf32> to vector<16xf32>
        %parallel_loop3A_113 = arith.constant 16 : i32
        %parallel_loop3A_114 = arith.addi %parallel_loop3A_84, %parallel_loop3A_113 : i32
        %parallel_loop3A_115 = arith.constant 1 : i32
        %parallel_loop3A_116 = arith.addi %parallel_loop3A_114, %parallel_loop3A_115 : i32
        %parallel_loop3A_117 = arith.index_cast %parallel_loop3A_116 : i32 to index
        %parallel_loop3A_118 = tpu.vector_load %arg5[%parallel_loop3A_117] {strides = array<i32>} : memref<16400xf32, #tpu.memory_space<vmem>>, vector<16xf32>,
        %parallel_loop3A_119 = vector.shape_cast %parallel_loop3A_118 : vector<16xf32> to vector<16xf32>
        %parallel_loop3A_120 = arith.subf %parallel_loop3A_112, %parallel_loop3A_119 : vector<16xf32>
        %parallel_loop3A_121 = arith.mulf %parallel_loop3A_120, %parallel_loop3A_120 : vector<16xf32>
        %parallel_loop3A_122 = arith.addf %parallel_loop3A_86, %parallel_loop3A_121 : vector<16xf32>
        %parallel_loop3A_123 = arith.constant 32 : i32
        %parallel_loop3A_124 = arith.addi %parallel_loop3A_84, %parallel_loop3A_123 : i32
        %parallel_loop3A_125 = arith.index_cast %parallel_loop3A_124 : i32 to index
        %parallel_loop3A_126 = tpu.vector_load %arg5[%parallel_loop3A_125] {strides = array<i32>} : memref<16400xf32, #tpu.memory_space<vmem>>, vector<16xf32>,
        %parallel_loop3A_127 = vector.shape_cast %parallel_loop3A_126 : vector<16xf32> to vector<16xf32>
        %parallel_loop3A_128 = arith.constant 32 : i32
        %parallel_loop3A_129 = arith.addi %parallel_loop3A_84, %parallel_loop3A_128 : i32
        %parallel_loop3A_130 = arith.constant 1 : i32
        %parallel_loop3A_131 = arith.addi %parallel_loop3A_129, %parallel_loop3A_130 : i32
        %parallel_loop3A_132 = arith.index_cast %parallel_loop3A_131 : i32 to index
        %parallel_loop3A_133 = tpu.vector_load %arg5[%parallel_loop3A_132] {strides = array<i32>} : memref<16400xf32, #tpu.memory_space<vmem>>, vector<16xf32>,
        %parallel_loop3A_134 = vector.shape_cast %parallel_loop3A_133 : vector<16xf32> to vector<16xf32>
        %parallel_loop3A_135 = arith.subf %parallel_loop3A_127, %parallel_loop3A_134 : vector<16xf32>
        %parallel_loop3A_136 = arith.mulf %parallel_loop3A_135, %parallel_loop3A_135 : vector<16xf32>
        %parallel_loop3A_137 = arith.addf %parallel_loop3A_87, %parallel_loop3A_136 : vector<16xf32>
        %parallel_loop3A_138 = arith.constant 48 : i32
        %parallel_loop3A_139 = arith.addi %parallel_loop3A_84, %parallel_loop3A_138 : i32
        %parallel_loop3A_140 = arith.index_cast %parallel_loop3A_139 : i32 to index
        %parallel_loop3A_141 = tpu.vector_load %arg5[%parallel_loop3A_140] {strides = array<i32>} : memref<16400xf32, #tpu.memory_space<vmem>>, vector<16xf32>,
        %parallel_loop3A_142 = vector.shape_cast %parallel_loop3A_141 : vector<16xf32> to vector<16xf32>
        %parallel_loop3A_143 = arith.constant 48 : i32
        %parallel_loop3A_144 = arith.addi %parallel_loop3A_84, %parallel_loop3A_143 : i32
        %parallel_loop3A_145 = arith.constant 1 : i32
        %parallel_loop3A_146 = arith.addi %parallel_loop3A_144, %parallel_loop3A_145 : i32
        %parallel_loop3A_147 = arith.index_cast %parallel_loop3A_146 : i32 to index
        %parallel_loop3A_148 = tpu.vector_load %arg5[%parallel_loop3A_147] {strides = array<i32>} : memref<16400xf32, #tpu.memory_space<vmem>>, vector<16xf32>,
        %parallel_loop3A_149 = vector.shape_cast %parallel_loop3A_148 : vector<16xf32> to vector<16xf32>
        %parallel_loop3A_150 = arith.subf %parallel_loop3A_142, %parallel_loop3A_149 : vector<16xf32>
        %parallel_loop3A_151 = arith.mulf %parallel_loop3A_150, %parallel_loop3A_150 : vector<16xf32>
        %parallel_loop3A_152 = arith.addf %parallel_loop3A_88, %parallel_loop3A_151 : vector<16xf32>
        %parallel_loop3A_153 = arith.constant 64 : i32
        %parallel_loop3A_154 = arith.addi %parallel_loop3A_84, %parallel_loop3A_153 : i32
        %parallel_loop3A_155 = arith.index_cast %parallel_loop3A_154 : i32 to index
        %parallel_loop3A_156 = tpu.vector_load %arg5[%parallel_loop3A_155] {strides = array<i32>} : memref<16400xf32, #tpu.memory_space<vmem>>, vector<16xf32>,
        %parallel_loop3A_157 = vector.shape_cast %parallel_loop3A_156 : vector<16xf32> to vector<16xf32>
        %parallel_loop3A_158 = arith.constant 64 : i32
        %parallel_loop3A_159 = arith.addi %parallel_loop3A_84, %parallel_loop3A_158 : i32
        %parallel_loop3A_160 = arith.constant 1 : i32
        %parallel_loop3A_161 = arith.addi %parallel_loop3A_159, %parallel_loop3A_160 : i32
        %parallel_loop3A_162 = arith.index_cast %parallel_loop3A_161 : i32 to index
        %parallel_loop3A_163 = tpu.vector_load %arg5[%parallel_loop3A_162] {strides = array<i32>} : memref<16400xf32, #tpu.memory_space<vmem>>, vector<16xf32>,
        %parallel_loop3A_164 = vector.shape_cast %parallel_loop3A_163 : vector<16xf32> to vector<16xf32>
        %parallel_loop3A_165 = arith.subf %parallel_loop3A_157, %parallel_loop3A_164 : vector<16xf32>
        %parallel_loop3A_166 = arith.mulf %parallel_loop3A_165, %parallel_loop3A_165 : vector<16xf32>
        %parallel_loop3A_167 = arith.addf %parallel_loop3A_89, %parallel_loop3A_166 : vector<16xf32>
        %parallel_loop3A_168 = arith.constant 80 : i32
        %parallel_loop3A_169 = arith.addi %parallel_loop3A_84, %parallel_loop3A_168 : i32
        %parallel_loop3A_170 = arith.index_cast %parallel_loop3A_169 : i32 to index
        %parallel_loop3A_171 = tpu.vector_load %arg5[%parallel_loop3A_170] {strides = array<i32>} : memref<16400xf32, #tpu.memory_space<vmem>>, vector<16xf32>,
        %parallel_loop3A_172 = vector.shape_cast %parallel_loop3A_171 : vector<16xf32> to vector<16xf32>
        %parallel_loop3A_173 = arith.constant 80 : i32
        %parallel_loop3A_174 = arith.addi %parallel_loop3A_84, %parallel_loop3A_173 : i32
        %parallel_loop3A_175 = arith.constant 1 : i32
        %parallel_loop3A_176 = arith.addi %parallel_loop3A_174, %parallel_loop3A_175 : i32
        %parallel_loop3A_177 = arith.index_cast %parallel_loop3A_176 : i32 to index
        %parallel_loop3A_178 = tpu.vector_load %arg5[%parallel_loop3A_177] {strides = array<i32>} : memref<16400xf32, #tpu.memory_space<vmem>>, vector<16xf32>,
        %parallel_loop3A_179 = vector.shape_cast %parallel_loop3A_178 : vector<16xf32> to vector<16xf32>
        %parallel_loop3A_180 = arith.subf %parallel_loop3A_172, %parallel_loop3A_179 : vector<16xf32>
        %parallel_loop3A_181 = arith.mulf %parallel_loop3A_180, %parallel_loop3A_180 : vector<16xf32>
        %parallel_loop3A_182 = arith.addf %parallel_loop3A_90, %parallel_loop3A_181 : vector<16xf32>
        %parallel_loop3A_183 = arith.constant 96 : i32
        %parallel_loop3A_184 = arith.addi %parallel_loop3A_84, %parallel_loop3A_183 : i32
        %parallel_loop3A_185 = arith.index_cast %parallel_loop3A_184 : i32 to index
        %parallel_loop3A_186 = tpu.vector_load %arg5[%parallel_loop3A_185] {strides = array<i32>} : memref<16400xf32, #tpu.memory_space<vmem>>, vector<16xf32>,
        %parallel_loop3A_187 = vector.shape_cast %parallel_loop3A_186 : vector<16xf32> to vector<16xf32>
        %parallel_loop3A_188 = arith.constant 96 : i32
        %parallel_loop3A_189 = arith.addi %parallel_loop3A_84, %parallel_loop3A_188 : i32
        %parallel_loop3A_190 = arith.constant 1 : i32
        %parallel_loop3A_191 = arith.addi %parallel_loop3A_189, %parallel_loop3A_190 : i32
        %parallel_loop3A_192 = arith.index_cast %parallel_loop3A_191 : i32 to index
        %parallel_loop3A_193 = tpu.vector_load %arg5[%parallel_loop3A_192] {strides = array<i32>} : memref<16400xf32, #tpu.memory_space<vmem>>, vector<16xf32>,
        %parallel_loop3A_194 = vector.shape_cast %parallel_loop3A_193 : vector<16xf32> to vector<16xf32>
        %parallel_loop3A_195 = arith.subf %parallel_loop3A_187, %parallel_loop3A_194 : vector<16xf32>
        %parallel_loop3A_196 = arith.mulf %parallel_loop3A_195, %parallel_loop3A_195 : vector<16xf32>
        %parallel_loop3A_197 = arith.addf %parallel_loop3A_91, %parallel_loop3A_196 : vector<16xf32>
        %parallel_loop3A_198 = arith.constant 112 : i32
        %parallel_loop3A_199 = arith.addi %parallel_loop3A_84, %parallel_loop3A_198 : i32
        %parallel_loop3A_200 = arith.index_cast %parallel_loop3A_199 : i32 to index
        %parallel_loop3A_201 = tpu.vector_load %arg5[%parallel_loop3A_200] {strides = array<i32>} : memref<16400xf32, #tpu.memory_space<vmem>>, vector<16xf32>,
        %parallel_loop3A_202 = vector.shape_cast %parallel_loop3A_201 : vector<16xf32> to vector<16xf32>
        %parallel_loop3A_203 = arith.constant 112 : i32
        %parallel_loop3A_204 = arith.addi %parallel_loop3A_84, %parallel_loop3A_203 : i32
        %parallel_loop3A_205 = arith.constant 1 : i32
        %parallel_loop3A_206 = arith.addi %parallel_loop3A_204, %parallel_loop3A_205 : i32
        %parallel_loop3A_207 = arith.index_cast %parallel_loop3A_206 : i32 to index
        %parallel_loop3A_208 = tpu.vector_load %arg5[%parallel_loop3A_207] {strides = array<i32>} : memref<16400xf32, #tpu.memory_space<vmem>>, vector<16xf32>,
        %parallel_loop3A_209 = vector.shape_cast %parallel_loop3A_208 : vector<16xf32> to vector<16xf32>
        %parallel_loop3A_210 = arith.subf %parallel_loop3A_202, %parallel_loop3A_209 : vector<16xf32>
        %parallel_loop3A_211 = arith.mulf %parallel_loop3A_210, %select_n3A : vector<16xf32>
        %parallel_loop3A_212 = arith.mulf %parallel_loop3A_211, %parallel_loop3A_211 : vector<16xf32>
        %parallel_loop3A_213 = arith.addf %parallel_loop3A_92, %parallel_loop3A_212 : vector<16xf32>
        scf.yield %parallel_loop3A_107, %parallel_loop3A_122, %parallel_loop3A_137, %parallel_loop3A_152, %parallel_loop3A_167, %parallel_loop3A_182, %parallel_loop3A_197, %parallel_loop3A_213 : vector<16xf32>, vector<16xf32>, vector<16xf32>, vector<16xf32>, vector<16xf32>, vector<16xf32>, vector<16xf32>, vector<16xf32>
      } {sc.loop_unroll_factor = 4 : i64, sc.parallel_access}
      scf.yield %parallel_loop3A_83#0, %parallel_loop3A_83#1, %parallel_loop3A_83#2, %parallel_loop3A_83#3, %parallel_loop3A_83#4, %parallel_loop3A_83#5, %parallel_loop3A_83#6, %parallel_loop3A_83#7 : vector<16xf32>, vector<16xf32>, vector<16xf32>, vector<16xf32>, vector<16xf32>, vector<16xf32>, vector<16xf32>, vector<16xf32>
    }
    %scan3A_27 = arith.constant 13 : i32
    %add3A_28 = arith.addf %scan3A_26#0, %scan3A_26#1 : vector<16xf32>
    %add3A_29 = arith.addf %scan3A_26#2, %scan3A_26#3 : vector<16xf32>
    %add3A_30 = arith.addf %add3A_28, %add3A_29 : vector<16xf32>
    %add3A_31 = arith.addf %scan3A_26#4, %scan3A_26#5 : vector<16xf32>
    %add3A_32 = arith.addf %scan3A_26#6, %scan3A_26#7 : vector<16xf32>
    %add3A_33 = arith.addf %add3A_31, %add3A_32 : vector<16xf32>
    %add3A_34 = arith.addf %add3A_30, %add3A_33 : vector<16xf32>
    %swap3A_35 = arith.constant 0 : index
    %swap3A_36 = tpu.vector_load %arg6[%swap3A_35] {strides = array<i32>} : memref<16xf32, #tpu.memory_space<vmem>>, vector<16xf32>,
    %swap3A_37 = vector.shape_cast %swap3A_36 : vector<16xf32> to vector<16xf32>
    %swap3A_38 = vector.shape_cast %add3A_34 : vector<16xf32> to vector<16xf32>
    tpu.vector_store %arg6[%swap3A_35], %swap3A_38 {strides = array<i32>} : memref<16xf32, #tpu.memory_space<vmem>>, vector<16xf32>,
    "tpu.region"() ({
      %run_scoped3A = tpu.sem_alloc : memref<!tpu.dma_semaphore, #tpu.memory_space<semaphore_mem>>
      %dma_start3A_39 = arith.constant 0 : i32
      %dma_start3A_40 = tpu.memref_slice %arg3[%add3A, %dma_start3A_39] : memref<32x16xf32, #tpu.memory_space<hbm>> -> memref<1x16xf32, #tpu.memory_space<hbm>>
      %dma_start3A_41 = tpu.memref_squeeze %dma_start3A_40 : memref<1x16xf32, #tpu.memory_space<hbm>> -> memref<16xf32, #tpu.memory_space<hbm>>
      %dma_start3A_42 = arith.constant 0 : i32
      %dma_start3A_43 = tpu.memref_slice %arg3[%add3A, %dma_start3A_42] : memref<32x16xf32, #tpu.memory_space<hbm>> -> memref<1x16xf32, #tpu.memory_space<hbm>>
      %dma_start3A_44 = tpu.memref_squeeze %dma_start3A_43 : memref<1x16xf32, #tpu.memory_space<hbm>> -> memref<16xf32, #tpu.memory_space<hbm>>
      tpu.enqueue_dma source(%arg6 : memref<16xf32, #tpu.memory_space<vmem>>) target(%dma_start3A_44 : memref<16xf32, #tpu.memory_space<hbm>>) target_semaphore(%run_scoped3A : memref<!tpu.dma_semaphore, #tpu.memory_space<semaphore_mem>>)
      %dma_wait3A = arith.constant 0 : i32
      %dma_wait3A_45 = tpu.memref_slice %arg3[%add3A, %dma_wait3A] : memref<32x16xf32, #tpu.memory_space<hbm>> -> memref<1x16xf32, #tpu.memory_space<hbm>>
      %dma_wait3A_46 = tpu.memref_squeeze %dma_wait3A_45 : memref<1x16xf32, #tpu.memory_space<hbm>> -> memref<16xf32, #tpu.memory_space<hbm>>
      %dma_wait3A_47 = arith.constant 0 : i32
      %dma_wait3A_48 = tpu.memref_slice %arg3[%add3A, %dma_wait3A_47] : memref<32x16xf32, #tpu.memory_space<hbm>> -> memref<1x16xf32, #tpu.memory_space<hbm>>
      %dma_wait3A_49 = tpu.memref_squeeze %dma_wait3A_48 : memref<1x16xf32, #tpu.memory_space<hbm>> -> memref<16xf32, #tpu.memory_space<hbm>>
      tpu.wait_dma2 semaphore(%run_scoped3A : memref<!tpu.dma_semaphore, #tpu.memory_space<semaphore_mem>>) src(%arg6 : memref<16xf32, #tpu.memory_space<vmem>>) dst(%dma_wait3A_49 : memref<16xf32, #tpu.memory_space<hbm>>)
      tpu.yield
    }) : () -> ()
    return
  }
}

module attributes {stable_mosaic.version = 14 : i64} {
  func.func @_tc_body(%arg0: i32, %arg1: memref<1024x128xf32, #tpu.memory_space<vmem>>, %arg2: memref<1024x128xf32, #tpu.memory_space<vmem>>, %arg3: memref<1024x128xf32, #tpu.memory_space<vmem>>, %arg4: memref<1024x128xf32, #tpu.memory_space<vmem>>, %arg5: memref<1024x128xf32, #tpu.memory_space<vmem>>, %arg6: memref<1024x128xf32, #tpu.memory_space<vmem>>, %arg7: memref<1024x128xf32, #tpu.memory_space<vmem>>, %arg8: memref<1024x128xf32, #tpu.memory_space<vmem>>, %arg9: memref<8x128xf32, #tpu.memory_space<vmem>>) attributes {dimension_semantics = [#tpu.dimension_semantics<arbitrary>], iteration_bounds = array<i64: 19>, scalar_prefetch = 0 : i64, scratch_operands = 0 : i64, tpu.core_type = #tpu.core_type<tc>, window_params = [{transform_indices = @transform_0, window_bounds = array<i64: 1024, 128>}, {transform_indices = @transform_1, window_bounds = array<i64: 1024, 128>}, {transform_indices = @transform_2, window_bounds = array<i64: 1024, 128>}, {transform_indices = @transform_3, window_bounds = array<i64: 1024, 128>}, {transform_indices = @transform_4, window_bounds = array<i64: 1024, 128>}, {transform_indices = @transform_5, window_bounds = array<i64: 1024, 128>}, {transform_indices = @transform_6, window_bounds = array<i64: 1024, 128>}, {transform_indices = @transform_7, window_bounds = array<i64: 1024, 128>}, {pipeline_mode = #tpu.pipeline_mode<synchronous>, transform_indices = @transform_8, window_bounds = array<i64: 8, 128>}]} {
    %eq3A = arith.constant 0 : i32
    %eq3A_0 = arith.cmpi eq, %arg0, %eq3A : i32
    %convert_element_type3A = arith.extui %eq3A_0 : i1 to i32
    %cond3A = arith.constant 0 : i32
    %cond3A_1 = arith.cmpi ne, %convert_element_type3A, %cond3A : i32
    scf.if %cond3A_1 {
      %broadcast_in_dim3A_93 = arith.constant 0.000000e+00 : f32
      %broadcast_in_dim3A_94 = vector.broadcast %broadcast_in_dim3A_93 : f32 to vector<8x128xf32>
      %swap3A_95 = arith.constant 0 : index
      %swap3A_96 = arith.constant 0 : index
      %swap3A_97 = vector.load %arg9[%swap3A_95, %swap3A_96] : memref<8x128xf32, #tpu.memory_space<vmem>>, vector<8x128xf32>
      tpu.vector_store %arg9[%swap3A_95, %swap3A_96], %broadcast_in_dim3A_94 {strides = array<i32>} : memref<8x128xf32, #tpu.memory_space<vmem>>, vector<8x128xf32>,
    } else {
    }
    %iota3A = tpu.iota {dimensions = array<i32: 1>} : vector<8x128xi32>
    %lt3A = arith.constant 127 : i32
    %lt3A_2 = vector.broadcast %lt3A : i32 to vector<8x128xi32>
    %lt3A_3 = arith.cmpi slt, %iota3A, %lt3A_2 : vector<8x128xi32>
    %broadcast_in_dim3A = arith.constant 0.000000e+00 : f32
    %broadcast_in_dim3A_4 = vector.broadcast %broadcast_in_dim3A : f32 to vector<8x128xf32>
    %get3A = arith.constant 0 : index
    %get3A_5 = arith.constant 0 : index
    %get3A_6 = vector.load %arg1[%get3A, %get3A_5] : memref<1024x128xf32, #tpu.memory_space<vmem>>, vector<1024x128xf32>
    %roll3A = arith.constant 127 : i32
    %roll3A_7 = tpu.dynamic_rotate %get3A_6 by %roll3A dim 1 : vector<1024x128xf32>, i32 -> vector<1024x128xf32>
    %sub3A = arith.subf %get3A_6, %roll3A_7 : vector<1024x128xf32>
    %mul3A = arith.mulf %sub3A, %sub3A : vector<1024x128xf32>
    %reshape3A = vector.shape_cast %mul3A : vector<1024x128xf32> to vector<8x128x128xf32>
    %reduce_sum3A = arith.constant dense<0.000000e+00> : vector<8x128xf32>
    %reduce_sum3A_8 = vector.multi_reduction <add>, %reshape3A, %reduce_sum3A [1] : vector<8x128x128xf32> to vector<8x128xf32>
    %add3A = arith.addf %broadcast_in_dim3A_4, %reduce_sum3A_8 : vector<8x128xf32>
    %get3A_9 = arith.constant 0 : index
    %get3A_10 = arith.constant 0 : index
    %get3A_11 = vector.load %arg2[%get3A_9, %get3A_10] : memref<1024x128xf32, #tpu.memory_space<vmem>>, vector<1024x128xf32>
    %roll3A_12 = arith.constant 127 : i32
    %roll3A_13 = tpu.dynamic_rotate %get3A_11 by %roll3A_12 dim 1 : vector<1024x128xf32>, i32 -> vector<1024x128xf32>
    %sub3A_14 = arith.subf %get3A_11, %roll3A_13 : vector<1024x128xf32>
    %mul3A_15 = arith.mulf %sub3A_14, %sub3A_14 : vector<1024x128xf32>
    %reshape3A_16 = vector.shape_cast %mul3A_15 : vector<1024x128xf32> to vector<8x128x128xf32>
    %reduce_sum3A_17 = arith.constant dense<0.000000e+00> : vector<8x128xf32>
    %reduce_sum3A_18 = vector.multi_reduction <add>, %reshape3A_16, %reduce_sum3A_17 [1] : vector<8x128x128xf32> to vector<8x128xf32>
    %add3A_19 = arith.addf %add3A, %reduce_sum3A_18 : vector<8x128xf32>
    %get3A_20 = arith.constant 0 : index
    %get3A_21 = arith.constant 0 : index
    %get3A_22 = vector.load %arg3[%get3A_20, %get3A_21] : memref<1024x128xf32, #tpu.memory_space<vmem>>, vector<1024x128xf32>
    %roll3A_23 = arith.constant 127 : i32
    %roll3A_24 = tpu.dynamic_rotate %get3A_22 by %roll3A_23 dim 1 : vector<1024x128xf32>, i32 -> vector<1024x128xf32>
    %sub3A_25 = arith.subf %get3A_22, %roll3A_24 : vector<1024x128xf32>
    %mul3A_26 = arith.mulf %sub3A_25, %sub3A_25 : vector<1024x128xf32>
    %reshape3A_27 = vector.shape_cast %mul3A_26 : vector<1024x128xf32> to vector<8x128x128xf32>
    %reduce_sum3A_28 = arith.constant dense<0.000000e+00> : vector<8x128xf32>
    %reduce_sum3A_29 = vector.multi_reduction <add>, %reshape3A_27, %reduce_sum3A_28 [1] : vector<8x128x128xf32> to vector<8x128xf32>
    %add3A_30 = arith.addf %add3A_19, %reduce_sum3A_29 : vector<8x128xf32>
    %get3A_31 = arith.constant 0 : index
    %get3A_32 = arith.constant 0 : index
    %get3A_33 = vector.load %arg4[%get3A_31, %get3A_32] : memref<1024x128xf32, #tpu.memory_space<vmem>>, vector<1024x128xf32>
    %roll3A_34 = arith.constant 127 : i32
    %roll3A_35 = tpu.dynamic_rotate %get3A_33 by %roll3A_34 dim 1 : vector<1024x128xf32>, i32 -> vector<1024x128xf32>
    %sub3A_36 = arith.subf %get3A_33, %roll3A_35 : vector<1024x128xf32>
    %mul3A_37 = arith.mulf %sub3A_36, %sub3A_36 : vector<1024x128xf32>
    %reshape3A_38 = vector.shape_cast %mul3A_37 : vector<1024x128xf32> to vector<8x128x128xf32>
    %reduce_sum3A_39 = arith.constant dense<0.000000e+00> : vector<8x128xf32>
    %reduce_sum3A_40 = vector.multi_reduction <add>, %reshape3A_38, %reduce_sum3A_39 [1] : vector<8x128x128xf32> to vector<8x128xf32>
    %add3A_41 = arith.addf %add3A_30, %reduce_sum3A_40 : vector<8x128xf32>
    %get3A_42 = arith.constant 0 : index
    %get3A_43 = arith.constant 0 : index
    %get3A_44 = vector.load %arg5[%get3A_42, %get3A_43] : memref<1024x128xf32, #tpu.memory_space<vmem>>, vector<1024x128xf32>
    %roll3A_45 = arith.constant 127 : i32
    %roll3A_46 = tpu.dynamic_rotate %get3A_44 by %roll3A_45 dim 1 : vector<1024x128xf32>, i32 -> vector<1024x128xf32>
    %sub3A_47 = arith.subf %get3A_44, %roll3A_46 : vector<1024x128xf32>
    %mul3A_48 = arith.mulf %sub3A_47, %sub3A_47 : vector<1024x128xf32>
    %reshape3A_49 = vector.shape_cast %mul3A_48 : vector<1024x128xf32> to vector<8x128x128xf32>
    %reduce_sum3A_50 = arith.constant dense<0.000000e+00> : vector<8x128xf32>
    %reduce_sum3A_51 = vector.multi_reduction <add>, %reshape3A_49, %reduce_sum3A_50 [1] : vector<8x128x128xf32> to vector<8x128xf32>
    %add3A_52 = arith.addf %add3A_41, %reduce_sum3A_51 : vector<8x128xf32>
    %get3A_53 = arith.constant 0 : index
    %get3A_54 = arith.constant 0 : index
    %get3A_55 = vector.load %arg6[%get3A_53, %get3A_54] : memref<1024x128xf32, #tpu.memory_space<vmem>>, vector<1024x128xf32>
    %roll3A_56 = arith.constant 127 : i32
    %roll3A_57 = tpu.dynamic_rotate %get3A_55 by %roll3A_56 dim 1 : vector<1024x128xf32>, i32 -> vector<1024x128xf32>
    %sub3A_58 = arith.subf %get3A_55, %roll3A_57 : vector<1024x128xf32>
    %mul3A_59 = arith.mulf %sub3A_58, %sub3A_58 : vector<1024x128xf32>
    %reshape3A_60 = vector.shape_cast %mul3A_59 : vector<1024x128xf32> to vector<8x128x128xf32>
    %reduce_sum3A_61 = arith.constant dense<0.000000e+00> : vector<8x128xf32>
    %reduce_sum3A_62 = vector.multi_reduction <add>, %reshape3A_60, %reduce_sum3A_61 [1] : vector<8x128x128xf32> to vector<8x128xf32>
    %add3A_63 = arith.addf %add3A_52, %reduce_sum3A_62 : vector<8x128xf32>
    %get3A_64 = arith.constant 0 : index
    %get3A_65 = arith.constant 0 : index
    %get3A_66 = vector.load %arg7[%get3A_64, %get3A_65] : memref<1024x128xf32, #tpu.memory_space<vmem>>, vector<1024x128xf32>
    %roll3A_67 = arith.constant 127 : i32
    %roll3A_68 = tpu.dynamic_rotate %get3A_66 by %roll3A_67 dim 1 : vector<1024x128xf32>, i32 -> vector<1024x128xf32>
    %sub3A_69 = arith.subf %get3A_66, %roll3A_68 : vector<1024x128xf32>
    %mul3A_70 = arith.mulf %sub3A_69, %sub3A_69 : vector<1024x128xf32>
    %reshape3A_71 = vector.shape_cast %mul3A_70 : vector<1024x128xf32> to vector<8x128x128xf32>
    %reduce_sum3A_72 = arith.constant dense<0.000000e+00> : vector<8x128xf32>
    %reduce_sum3A_73 = vector.multi_reduction <add>, %reshape3A_71, %reduce_sum3A_72 [1] : vector<8x128x128xf32> to vector<8x128xf32>
    %add3A_74 = arith.addf %add3A_63, %reduce_sum3A_73 : vector<8x128xf32>
    %get3A_75 = arith.constant 0 : index
    %get3A_76 = arith.constant 0 : index
    %get3A_77 = vector.load %arg8[%get3A_75, %get3A_76] : memref<1024x128xf32, #tpu.memory_space<vmem>>, vector<1024x128xf32>
    %roll3A_78 = arith.constant 127 : i32
    %roll3A_79 = tpu.dynamic_rotate %get3A_77 by %roll3A_78 dim 1 : vector<1024x128xf32>, i32 -> vector<1024x128xf32>
    %sub3A_80 = arith.subf %get3A_77, %roll3A_79 : vector<1024x128xf32>
    %mul3A_81 = arith.mulf %sub3A_80, %sub3A_80 : vector<1024x128xf32>
    %reshape3A_82 = vector.shape_cast %mul3A_81 : vector<1024x128xf32> to vector<8x128x128xf32>
    %reduce_sum3A_83 = arith.constant dense<0.000000e+00> : vector<8x128xf32>
    %reduce_sum3A_84 = vector.multi_reduction <add>, %reshape3A_82, %reduce_sum3A_83 [1] : vector<8x128x128xf32> to vector<8x128xf32>
    %add3A_85 = arith.addf %add3A_74, %reduce_sum3A_84 : vector<8x128xf32>
    %get3A_86 = arith.constant 0 : index
    %get3A_87 = arith.constant 0 : index
    %get3A_88 = vector.load %arg9[%get3A_86, %get3A_87] : memref<8x128xf32, #tpu.memory_space<vmem>>, vector<8x128xf32>
    %jit3A = arith.constant 0.000000e+00 : f32
    %broadcast_in_dim3A_89 = vector.broadcast %jit3A : f32 to vector<8x128xf32>
    %select_n3A = arith.select %lt3A_3, %add3A_85, %broadcast_in_dim3A_89 : vector<8x128xi1>, vector<8x128xf32>
    %add3A_90 = arith.addf %get3A_88, %select_n3A : vector<8x128xf32>
    %swap3A = arith.constant 0 : index
    %swap3A_91 = arith.constant 0 : index
    %swap3A_92 = vector.load %arg9[%swap3A, %swap3A_91] : memref<8x128xf32, #tpu.memory_space<vmem>>, vector<8x128xf32>
    tpu.vector_store %arg9[%swap3A, %swap3A_91], %add3A_90 {strides = array<i32>} : memref<8x128xf32, #tpu.memory_space<vmem>>, vector<8x128xf32>,
    return
  }
  func.func @transform_0(%arg0: i32) -> (i32, i32) {
    %add3A = arith.constant 104 : i32
    %add3A_0 = arith.addi %add3A, %arg0 : i32
    %c0_i32 = arith.constant 0 : i32
    %c0_i32_1 = arith.constant 0 : i32
    return %add3A_0, %c0_i32 : i32, i32
  }
  func.func @transform_1(%arg0: i32) -> (i32, i32) {
    %add3A = arith.constant 123 : i32
    %add3A_0 = arith.addi %add3A, %arg0 : i32
    %c0_i32 = arith.constant 0 : i32
    %c0_i32_1 = arith.constant 0 : i32
    return %add3A_0, %c0_i32 : i32, i32
  }
  func.func @transform_2(%arg0: i32) -> (i32, i32) {
    %add3A = arith.constant 142 : i32
    %add3A_0 = arith.addi %add3A, %arg0 : i32
    %c0_i32 = arith.constant 0 : i32
    %c0_i32_1 = arith.constant 0 : i32
    return %add3A_0, %c0_i32 : i32, i32
  }
  func.func @transform_3(%arg0: i32) -> (i32, i32) {
    %add3A = arith.constant 161 : i32
    %add3A_0 = arith.addi %add3A, %arg0 : i32
    %c0_i32 = arith.constant 0 : i32
    %c0_i32_1 = arith.constant 0 : i32
    return %add3A_0, %c0_i32 : i32, i32
  }
  func.func @transform_4(%arg0: i32) -> (i32, i32) {
    %add3A = arith.constant 180 : i32
    %add3A_0 = arith.addi %add3A, %arg0 : i32
    %c0_i32 = arith.constant 0 : i32
    %c0_i32_1 = arith.constant 0 : i32
    return %add3A_0, %c0_i32 : i32, i32
  }
  func.func @transform_5(%arg0: i32) -> (i32, i32) {
    %add3A = arith.constant 199 : i32
    %add3A_0 = arith.addi %add3A, %arg0 : i32
    %c0_i32 = arith.constant 0 : i32
    %c0_i32_1 = arith.constant 0 : i32
    return %add3A_0, %c0_i32 : i32, i32
  }
  func.func @transform_6(%arg0: i32) -> (i32, i32) {
    %add3A = arith.constant 218 : i32
    %add3A_0 = arith.addi %add3A, %arg0 : i32
    %c0_i32 = arith.constant 0 : i32
    %c0_i32_1 = arith.constant 0 : i32
    return %add3A_0, %c0_i32 : i32, i32
  }
  func.func @transform_7(%arg0: i32) -> (i32, i32) {
    %add3A = arith.constant 237 : i32
    %add3A_0 = arith.addi %add3A, %arg0 : i32
    %c0_i32 = arith.constant 0 : i32
    %c0_i32_1 = arith.constant 0 : i32
    return %add3A_0, %c0_i32 : i32, i32
  }
  func.func @transform_8(%arg0: i32) -> (i32, i32) {
    %c0_i32 = arith.constant 0 : i32
    %c0_i32_0 = arith.constant 0 : i32
    %c0_i32_1 = arith.constant 0 : i32
    return %c0_i32, %c0_i32_0 : i32, i32
  }
}

</mosaic_0001>

<sc_bundles>
// kernel: kernel.4.cloned.1.call-start
scs
__scs_entry_jumppad:
0x0: {  	(pc) =	sbr.rel $0x88, $3  }
0x1: {  	(tag) =	ssettag $0x0;
	lr =	simm.s32 $0x1  }
0x2: {  	[smem:$0x3FA0] =	sst lr;
	_ =	strace $0xD0000000  }
0x3: {  	_ = 	snop  }
0x4: {  	_ = 	snop  }
0x5: {  	_ = 	snop  }
0x6: {  	_ = 	snop  }
0x7: {  	_ = 	snop  }
__scs_overlays_trampoline_lowered:
0x8: {  	[smem:$0x3FAF] =	sst s0  }
0x9: {  	[smem:$0x3FB0] =	sst s1  }
0xa: {  	[smem:$0x3FB1] =	sst s2  }
0xb: {  	[smem:$0x3FB2] =	sst s3  }
0xc: {  	[smem:$0x3FB3] =	sst s4  }
0xd: {  	[smem:$0x3FB4] =	sst s5  }
0xe: {  	[smem:$0x3FB5] =	sst s6  }
0xf: {  	[smem:$0x3FB6] =	sst s7  }
0x10: {  	[smem:$0x3FB7] =	sst s8  }
0x11: {  	[smem:$0x3FB8] =	sst s9;
	s0 =	simm.s32 @!p0 $0x0  }
0x12: {  	s1 =	sld [smem:$0x3F9E];
	s0 =	simm.s32 @p0 $0x1  }
0x13: {  	[smem:$0x3FB9] =	sst s0;
	s0 =	simm.s32 @!p1 $0x0  }
0x14: {  	s2 =	sld [smem:$0x3F9D];
	s0 =	simm.s32 @p1 $0x1  }
0x15: {  	[smem:$0x3FBA] =	sst s0;
	s0 =	simm.s32 @!p2 $0x0  }
0x16: {  	s3 =	sld [smem:$0x3FDB];
	s0 =	simm.s32 @p2 $0x1  }
0x17: {  	s4 =	simm.s32 $0x1BF5;
	[smem:$0x3FBC] =	sst s0  }
0x18: {  	s0 =	sld [smem:$0x3F9F];
	_ =	swait.ge [sflag:s4], $0x0  }
0x19: {  	s7 =	sld [smem:$0x3FA0]  }
0x1a: {  	s8 =	sadd.s32 $0xFFFFE003, lr  }
0x1b: {  	s9 =	sadd.s32 $0xFFFFFEF7, lr;
	s5 =	simm.s32 $0xFFFFFFFF;
	p2 =	slt.u32 s8, $0xFFFFF086  }
0x1c: {  	p1 =	slt.u32 s9, $0xF7A;
	s5 =	simm.s32 @!p2 $0x0  }
0x1d: {  	s5 =	simm.s32 @p1 $0x1;
	p0 =	seq.s32 s7, s2  }
0x1e: {  	s7 =	smul.u32 @!p0 $0xF7A, s2;
	p2 =	seq.s32 @!p0 s5, $0x0  }
0x1f: {  	s9 =	smul.u32 $0xF7A, s1;
	s8 =	simm.s32 @!p0 $0x1BF5;
	p2 =	por !p2, p0  }
0x20: {  	[sflag:s8] =	ssyncset.s32 @!p0 $0xFFFFF086;
	s6 =	sadd.s32 @!p0 s3, s7;
	s7 =	simm.s32 @!p0 $0x108  }
0x21: {  	s3 =	sadd.s32 s3, s9;
	s6 =	sadd.s32 @!p0 $0x88, s6;
	s7 =	simm.s32 @p2 $0x1082  }
0x22: {  	[simem:s7], [sflag:s8] =	dma.local @!p0 [hbm:s6], $0xF7A  }
0x23: {  	s9 =	sor.u32 $0xD0000000, s2;
	s6 =	simm.s32 $0x108;
	_ =	swait.ge @!p0 [sflag:s8], $0x0  }
0x24: {  	s3 =	sadd.s32 $0x88, s3;
	s6 =	simm.s32 @!p1 $0x1082;
	[sflag:s4] =	ssyncset.s32 $0xFFFFF086  }
0x25: {  	[simem:s6], [sflag:s4] =	dma.local [hbm:s3], $0xF7A  }
0x26: {  	[smem:$0x3FA0] =	sst s1;
	(tag) =	ssettag s2;
	_ =	strace s9  }
0x27: {  	s1 =	sld [smem:$0x3FB0]  }
0x28: {  	s2 =	sld [smem:$0x3FB1]  }
0x29: {  	s4 =	sld [smem:$0x3FB3]  }
0x2a: {  	p0 =	seq.s32 s5, $0x0;
	s5 =	sld [smem:$0x3FB4]  }
0x2b: {  	s6 =	sld [smem:$0x3FB5]  }
0x2c: {  	s7 =	sld [smem:$0x3FB6]  }
0x2d: {  	s3 =	simm.s32 $0x108;
	s8 =	sld [smem:$0x3FB7]  }
0x2e: {  	s3 =	simm.s32 @!p0 $0x1082;
	s9 =	sld [smem:$0x3FB8]  }
0x2f: {  	lr =	sadd.s32 s0, s3;
	s0 =	sld [smem:$0x3FAF]  }
0x30: {  	s3 =	sld [smem:$0x3FB2]  }
0x31: {  	[smem:$0x3FBB] =	sst s10  }
0x32: {  	s10 =	sld [smem:$0x3FB9];
	_ =	sdelay $0x3  }
0x33: {  	p0 =	seq.s32 s10, $0x1;
	s10 =	sld [smem:$0x3FBB];
	_ =	sdelay $0x3  }
0x34: {  	[smem:$0x3FBB] =	sst s10  }
0x35: {  	s10 =	sld [smem:$0x3FBA];
	_ =	sdelay $0x3  }
0x36: {  	p1 =	seq.s32 s10, $0x1;
	s10 =	sld [smem:$0x3FBB];
	_ =	sdelay $0x3  }
0x37: {  	[smem:$0x3FBB] =	sst s10  }
0x38: {  	s10 =	sld [smem:$0x3FBC]  }
0x39: {  	_ = 	snop;
	(pc) =	sbr.ind lr, $3  }
0x3a: {  	_ = 	snop  }
0x3b: {  	_ = 	snop  }
0x3c: {  	p2 =	seq.s32 s10, $0x1;
	s10 =	sld [smem:$0x3FBB]  }
0x3d: {  	_ =	shalt  }
0x3e: {  	_ =	shalt  }
0x3f: {  	_ =	shalt  }
0x40: {  	_ =	shalt  }
0x41: {  	_ =	shalt  }
0x42: {  	_ =	shalt  }
0x43: {  	_ =	shalt  }
0x44: {  	_ =	shalt  }
0x45: {  	_ =	shalt  }
0x46: {  	_ =	shalt  }
0x47: {  	_ =	shalt  }
0x48: {  	_ =	shalt  }
0x49: {  	_ =	shalt  }
0x4a: {  	_ =	shalt  }
0x4b: {  	_ =	shalt  }
0x4c: {  	_ =	shalt  }
0x4d: {  	_ =	shalt  }
0x4e: {  	_ =	shalt  }
0x4f: {  	_ =	shalt  }
0x50: {  	_ =	shalt  }
0x51: {  	_ =	shalt  }
0x52: {  	_ =	shalt  }
0x53: {  	_ =	shalt  }
0x54: {  	_ =	shalt  }
0x55: {  	_ =	shalt  }
0x56: {  	_ =	shalt  }
0x57: {  	_ =	shalt  }
0x58: {  	_ =	shalt  }
0x59: {  	_ =	shalt  }
0x5a: {  	_ =	shalt  }
0x5b: {  	_ =	shalt  }
0x5c: {  	_ =	shalt  }
0x5d: {  	_ =	shalt  }
0x5e: {  	_ =	shalt  }
0x5f: {  	_ =	shalt  }
0x60: {  	_ =	shalt  }
0x61: {  	_ =	shalt  }
0x62: {  	_ =	shalt  }
0x63: {  	_ =	shalt  }
0x64: {  	_ =	shalt  }
0x65: {  	_ =	shalt  }
0x66: {  	_ =	shalt  }
0x67: {  	_ =	shalt  }
0x68: {  	_ =	shalt  }
0x69: {  	_ =	shalt  }
0x6a: {  	_ =	shalt  }
0x6b: {  	_ =	shalt  }
0x6c: {  	_ =	shalt  }
0x6d: {  	_ =	shalt  }
0x6e: {  	_ =	shalt  }
0x6f: {  	_ =	shalt  }
0x70: {  	_ =	shalt  }
0x71: {  	_ =	shalt  }
0x72: {  	_ =	shalt  }
0x73: {  	_ =	shalt  }
0x74: {  	_ =	shalt  }
0x75: {  	_ =	shalt  }
0x76: {  	_ =	shalt  }
0x77: {  	_ =	shalt  }
0x78: {  	_ =	shalt  }
0x79: {  	_ =	shalt  }
0x7a: {  	_ =	shalt  }
0x7b: {  	_ =	shalt  }
0x7c: {  	_ =	shalt  }
0x7d: {  	_ =	shalt  }
0x7e: {  	_ =	shalt  }
0x7f: {  	_ =	shalt  }
0x80: {  	_ =	shalt  }
0x81: {  	_ =	shalt  }
0x82: {  	_ =	shalt  }
0x83: {  	_ =	shalt  }
0x84: {  	_ =	shalt  }
0x85: {  	_ =	shalt  }
0x86: {  	_ =	shalt  }
0x87: {  	_ =	shalt  }
.Lfunc_end0:
.L_simem_size_0:
called_computation_lowered:
.L_overlay_start_0:
0x88: {  	s2 =	sld [smem:$0x3FD9]  }
0x89: {  	s3 =	sld [smem:$0x3FFE];
	_ =	sdelay $0x1  }
0x8a: {  	s1 =	srdreg.scid  }
0x8b: {  	s0 =	sand.u32 $0x1, s1  }
0x8c: {  	s17 =	sshll.u32 s0, $0xA;
	s2 =	sadd.s32 s3, s2  }
0x8d: {  	s2 =	sadd.s32 s2, s17  }
0x8e: {  	[smem:$0x3FC7] =	sst s2  }
0x8f: {  	_ = 	snop  }
0x90: {  	s2 =	sld [smem:$0x3FC9];
	(tm) =	ssettm $0x1  }
0x91: {  	s18 =	sld [smem:$0x3FFB];
	_ =	sdelay $0x3  }
0x92: {  	_ =	strace s18  }
0x93: {  	s3 =	sld [smem:$0x3FFC];
	_ =	sdelay $0x3  }
0x94: {  	_ =	strace s3  }
0x95: {  	s3 =	sld [smem:$0x3FFD];
	_ =	sdelay $0x3  }
0x96: {  	_ =	strace s3  }
0x97: {  	_ =	strace $0x8FFFFFFF  }
0x98: {  	s19 =	sld [smem:$0x3FDB];
	_ =	sdelay $0x1  }
0x99: {  	s4 =	simm.s32 $_scs_section_size  }
0x9a: {  	s5 =	simm.s32 $_size__tile_overlayer_lowered;
	s6 =	simm.s32 $_tile_overlayer_lowered  }
0x9b: {  	s22 =	simm.s32 $0x1BFF;
	s21 =	sshll.u32 s6, $0x1;
	s3 =	sadd.s32 s4, s19  }
0x9c: {  	s7 =	simm.s32 $0x0;
	s20 =	sshll.u32 s5, $0x1;
	s5 =	sadd.s32 s21, s3  }
0x9d: {  	[timem:s7], [sflag:s22] =	dma.local [hbm:s5], s20  }
0x9e: {  	_ =	swait.ge [sflag:s22], s20  }
0x9f: {  	s4 =	ssub.s32 $0x0, s20;
	[sflag:s22] =	ssyncset.done $0x0  }
0xa0: {  	[sflag:s22] =	ssyncadd.s32 s4;
	_ =	sdelay $0x1  }
0xa1: {  	s23 =	simm.s32 $0x1B8B  }
0xa2: {  	_ =	swait.ge [sflag:s23], $0x1  }
0xa3: {  	[sflag:s23] =	ssyncset.done $0x0  }
0xa4: {  	s25 =	simm.s32 $0x1B8E;
	s24 =	sld [smem:$0x3FFE];
	[sflag:s23] =	ssyncadd.s32 $0xFFFFFFFF  }
0xa5: {  	s26 =	simm.s32 $execute0_lowered;
	[smem:$0x3FD2] =	sst s25  }
0xa6: {  	s5 =	sshll.u32 s26, $0x1;
	_ =	strace $0x80000046;
	[dreg:$0x1] =	wrdreg $0xFFFFFFFF  }
0xa7: {  	s28 =	simm.s32 $_size_execute0_lowered;
	s3 =	sadd.s32 s3, s5;
	[dreg:$0x0] =	wrdreg $0x0  }
0xa8: {  	s5 =	sshll.u32 s28, $0x1;
	[dreg:$0x2] =	wrdreg s3  }
0xa9: {  	[dreg:$0x3] =	wrdreg s5  }
0xaa: {  	[dreg:$0x4] =	wrdreg $0xC0  }
0xab: {  	_ =	task [dreg:s7], $0x5FFFF  }
0xac: {  	[dreg:$0x1] =	wrdreg $0xFFFFFFFF  }
0xad: {  	[dreg:$0x0] =	wrdreg $0x60  }
0xae: {  	[dreg:$0x2] =	wrdreg s2  }
0xaf: {  	[dreg:$0x3] =	wrdreg s24  }
0xb0: {  	[dreg:$0x4] =	wrdreg $0x9  }
0xb1: {  	_ =	task.clear_ibuf [dreg:s7], $0x5FFFF;
	_ =	strace $0x90000046  }
0xb2: {  	s29 =	simm.s32 $0x9;
	_ =	strace $0x80000048  }
0xb3: {  	_ =	swait.ge [sflag:s29], $0x1  }
0xb4: {  	[sflag:s29] =	ssyncadd.s32 $0xFFFFFFFF  }
0xb5: {  	_ =	strace $0x90000048  }
0xb6: {  	_ =	sfence  }
0xb7: {  	s30 =	sld [smem:$0x0];
	_ =	sdelay $0x2  }
0xb8: {  	s31 =	sshll.u32 s1, $0xD;
	s1 =	sshrl.u32 s1, $0x2  }
0xb9: {  	s3 =	sand.u32 $0x4000, s31;
	s1 =	sadd.s32 s1, s30  }
0xba: {  	s0 =	sor.u32 s3, s0;
	s1 =	sshll.u32 s1, $0x11  }
0xbb: {  	s0 =	sor.u32 s1, s0  }
0xbc: {  	s0 =	sadd.s32 $0x8F2B, s0  }
0xbd: {  	[sflag:s0] =	ssyncadd.remote.s32 $0x1  }
0xbe: {  	_ =	sfence.sel $0xFFFF  }
0xbf: {  	[dreg:$0x0] =	wrdreg $0xFFFFFFFF;
	(pc) =	sbr.abs _section_cstart, $3  }
0xc0: {  	[dreg:$0x1] =	wrdreg $0xFFFFFFFF  }
0xc1: {  	_ =	task.clear_ibuf [dreg:s7], $0x2FFFF;
	_ =	strace $0x9FFFFFFF  }
0xc2: {  	(tm) =	ssettm $0x7FFFFFFF  }
0xc3: {  	_ =	shalt  }
tec
execute0_lowered:
.L_overlay_start_1:
0x0: {  	(tag) =	ssettag $0x1  }
0x1: {  	s2 =	rddreg [dreg:$0x0];
	s1 =	srdreg.scid  }
0x2: {  	s0 =	stileid.u32;
	s7 =	rddreg [dreg:$0x1]  }
0x3: {  	s11 =	simm.s32 $0x2;
	s12 =	simm.s32 $0x8100;
	s13 =	simm.s32 $0x3  }
0x4: {  	s14 =	simm.s32 $0x0;
	s4 =	sand.u32 $0x1, s1;
	s3 =	sshll.u32 s0, $0x1  }
0x5: {  	s1 =	rddreg [dreg:$0x2];
	s6 =	sor.u32 s4, s3;
	s3 =	simm.s32 $0x0  }
0x6: {  	s4 =	ssub.s32 $0x2, s4;
	s8 =	smul.u32 $0x68000, s6;
	[smem:$0x7FF] =	sst s3  }
0x7: {  	s5 =	sshrl.u32 s4, $0x1;
	s10 =	sshll.u32 s6, $0x4;
	_ =	strace $0x80000047  }
0x8: {  	s9 =	ssub.s32 s4, s5;
	s7 =	sadd.s32 s7, s10;
	s10 =	simm.s32 $0x4080  }
0x9: {  	v0 =	vimm.f32 $0.0e+00;
	vm0 =	vcmask $0x3B00;
	s31 =	sshrl.u32 s8, $0x3;
	s5 =	sor.u32 $0x4000, s8;
	s6 =	sadd.s32 $0x8000, s8  }
0xa: {  	v1 =	vsel vm0, $0x3F800000, v0;
	s8 =	smax.u32 s9, $0x1;
	s9 =	simm.s32 $0x1;
	s4 =	sadd.s32 s2, s31  }
.LBB2_1:
0xb: {  	[tilespmem:$0x4000] =	vst v0;
	v7 =	vimm.f32 $0.0e+00;
	v2 =	vimm.f32 $0.0e+00  }
0xc: {  	[tilespmem:$0x8080] =	vst v0;
	v3 =	vimm.f32 $0.0e+00;
	v5 =	vimm.f32 $0.0e+00;
	v6 =	vimm.f32 $0.0e+00;
	s15 =	simm.s32 $0x0  }
0xd: {  	v8 =	vimm.f32 $0.0e+00;
	v9 =	vimm.f32 $0.0e+00;
	v4 =	vimm.f32 $0.0e+00;
	[tilespmem:s3], [sflag:$0x1] =	stream.linear.gather [hbm4b:s4+s3], $0x4000, $0x38;
	[tilespmem:$0x8180] =	vst v63  }
.LBB2_2:
0xe: {  	s16 =	sshll.u32 s15, $0xF  }
0xf: {  	_ =	swait.ge [sflag:s9], $0x4000;
	s17 =	sadd.s32 s16, s5  }
0x10: {  	[sflag:s9] =	ssyncset.done $0x0;
	s17 =	sshrl.u32 s17, $0x3  }
0x11: {  	s18 =	simm.s32 $0x40;
	[sflag:s9] =	ssyncadd.s32 $0xFFFFC000;
	s17 =	sadd.s32 s2, s17  }
0x12: {  	[tilespmem:s10], [sflag:$0x2] =	stream.linear.gather [hbm4b:s17+s3], $0x4000, $0x38;
	[tilespmem:$0x8180] =	vst v63  }
0x13: {  	v11 =	vld [tilespmem:s18+$0x30]  }
0x14: {  	v12 =	vld [tilespmem:s18+$0x31]  }
0x15: {  	v13 =	vld [tilespmem:s18+$0xFFFFFFD0]  }
0x16: {  	v14 =	vld [tilespmem:s18+$0xFFFFFFD1]  }
0x17: {  	v15 =	vld [tilespmem:s18+$0xFFFFFFE0]  }
0x18: {  	v16 =	vld [tilespmem:s18+$0xFFFFFFE1]  }
0x19: {  	v17 =	vld [tilespmem:s18+$0xFFFFFFF0]  }
0x1a: {  	v18 =	vld [tilespmem:s18+$0xFFFFFFF1]  }
0x1b: {  	v19 =	vld [tilespmem:s18+$0x0]  }
0x1c: {  	v20 =	vld [tilespmem:s18+$0x1];
	v11 =	vsub.f32 v11, v12  }
0x1d: {  	v10 =	vld [tilespmem:s18+$0xFFFFFFC1];
	v13 =	vsub.f32 v13, v14  }
0x1e: {  	v15 =	vsub.f32 v15, v16;
	v12 =	vld [tilespmem:s18+$0x10];
	v11 =	vmul.f32 v1, v11  }
0x1f: {  	v14 =	vld [tilespmem:s18+$0x11];
	v16 =	vmul.f32 v13, v13  }
0x20: {  	v17 =	vsub.f32 v17, v18;
	v21 =	vmul.f32 v15, v15;
	v13 =	vld [tilespmem:s18+$0x20];
	v11 =	vmul.f32 v11, v11  }
0x21: {  	v18 =	vsub.f32 v19, v20;
	v9 =	vadd.f32 v16, v9;
	v16 =	vld [tilespmem:s18+$0x21]  }
0x22: {  	s17 =	simm.s32 $0x0;
	v15 =	vld [tilespmem:s18+$0xFFFFFFC0];
	v17 =	vmul.f32 v17, v17;
	v8 =	vadd.f32 v21, v8;
	s18 =	simm.s32 $0xC0;
	v7 =	vadd.f32 v11, v7  }
.LBB2_3:
0x23: {  	v11 =	vld [tilespmem:s18+$0x30]  }
0x24: {  	s17 =	sadd.s32 $0x80, s17;
	v19 =	vld [tilespmem:s18+$0x31];
	v6 =	vadd.f32 v17, v6;
	v17 =	vmul.f32 v18, v18;
	v12 =	vsub.f32 v12, v14  }
0x25: {  	p0 =	slt.u32 s17, $0x3F80;
	v14 =	vld [tilespmem:s18+$0xFFFFFFC1]  }
0x26: {  	v18 =	vld [tilespmem:s18+$0xFFFFFFD0];
	v5 =	vadd.f32 v17, v5;
	v12 =	vmul.f32 v12, v12;
	v13 =	vsub.f32 v13, v16  }
0x27: {  	v16 =	vld [tilespmem:s18+$0xFFFFFFD1];
	v20 =	vsub.f32 v15, v10  }
0x28: {  	v15 =	vld [tilespmem:s18+$0xFFFFFFE0];
	v3 =	vadd.f32 v12, v3;
	v12 =	vmul.f32 v13, v13  }
0x29: {  	v13 =	vld [tilespmem:s18+$0xFFFFFFE1];
	v11 =	vsub.f32 v11, v19;
	v17 =	vmul.f32 v20, v20  }
0x2a: {  	v19 =	vld [tilespmem:s18+$0xFFFFFFF0];
	v2 =	vadd.f32 v12, v2;
	v10 =	vmov v14  }
0x2b: {  	v20 =	vld [tilespmem:s18+$0xFFFFFFF1];
	v11 =	vmul.f32 v1, v11;
	v4 =	vadd.f32 v17, v4  }
0x2c: {  	v12 =	vsub.f32 v18, v16;
	v18 =	vld [tilespmem:s18+$0x0]  }
0x2d: {  	v21 =	vld [tilespmem:s18+$0x1];
	v11 =	vmul.f32 v11, v11  }
.Ltmp0:
0x2e: {  	v16 =	vmul.f32 v12, v12;
	v13 =	vsub.f32 v15, v13;
	v12 =	vld [tilespmem:s18+$0x10];
	(pc) =	sbr.rel @p0 .LBB2_3-.Ltmp0, $4  }
0x2f: {  	v14 =	vld [tilespmem:s18+$0x11];
	v7 =	vadd.f32 v11, v7  }
0x30: {  	v9 =	vadd.f32 v16, v9;
	v11 =	vmul.f32 v13, v13;
	v17 =	vsub.f32 v19, v20;
	v13 =	vld [tilespmem:s18+$0x20]  }
0x31: {  	v16 =	vld [tilespmem:s18+$0x21]  }
0x32: {  	v15 =	vld [tilespmem:s18+$0xFFFFFFC0];
	v8 =	vadd.f32 v11, v8;
	v17 =	vmul.f32 v17, v17;
	v18 =	vsub.f32 v18, v21;
	s18 =	sadd.s32 $0x80, s18  }
0x33: {  	p0 =	seq.s32 s15, $0xC  }
0x34: {  	_ =	swait.ge [sflag:s11], $0x4000;
	s16 =	sadd.s32 @!p0 s16, s6  }
0x35: {  	s31 =	simm.s32 $0x40C0;
	[sflag:s11] =	ssyncset.done $0x0;
	s16 =	sshrl.u32 @!p0 s16, $0x3  }
0x36: {  	s17 =	simm.s32 @!p0 $0x0;
	[sflag:s11] =	ssyncadd.s32 $0xFFFFC000;
	s16 =	sadd.s32 @!p0 s2, s16  }
0x37: {  	[tilespmem:s17], [sflag:$0x1] =	stream.linear.gather @!p0 [hbm4b:s16+s17], $0x4000, $0x38;
	[tilespmem:$0x8180] =	vst v63  }
0x38: {  	v19 =	vld [tilespmem:s31+$0x30]  }
0x39: {  	v20 =	vld [tilespmem:s31+$0x31]  }
0x3a: {  	v21 =	vld [tilespmem:s31+$0xFFFFFFD0]  }
0x3b: {  	v22 =	vld [tilespmem:s31+$0xFFFFFFD1]  }
0x3c: {  	v23 =	vld [tilespmem:s31+$0xFFFFFFE0]  }
0x3d: {  	v24 =	vld [tilespmem:s31+$0xFFFFFFE1]  }
0x3e: {  	v6 =	vadd.f32 v17, v6;
	v17 =	vmul.f32 v18, v18;
	v12 =	vsub.f32 v12, v14;
	v14 =	vld [tilespmem:s31+$0xFFFFFFF0]  }
0x3f: {  	v13 =	vsub.f32 v13, v16;
	v18 =	vld [tilespmem:s31+$0xFFFFFFF1]  }
0x40: {  	v5 =	vadd.f32 v17, v5;
	v10 =	vsub.f32 v15, v10;
	v17 =	vld [tilespmem:s31+$0x0]  }
0x41: {  	v12 =	vmul.f32 v12, v12;
	v16 =	vsub.f32 v19, v20;
	v19 =	vld [tilespmem:s31+$0x1]  }
0x42: {  	v11 =	vld [tilespmem:s31+$0xFFFFFFC1];
	v13 =	vmul.f32 v13, v13;
	v61 =	vmul.f32 v10, v10;
	v62 =	vsub.f32 v23, v24  }
0x43: {  	v3 =	vadd.f32 v12, v3;
	v12 =	vld [tilespmem:s31+$0x11];
	v15 =	vmul.f32 v1, v16;
	v16 =	vsub.f32 v21, v22  }
0x44: {  	v10 =	vld [tilespmem:s31+$0x10];
	v2 =	vadd.f32 v13, v2;
	v4 =	vadd.f32 v61, v4;
	v63 =	vmul.f32 v62, v62  }
0x45: {  	v13 =	vld [tilespmem:s31+$0x20];
	v18 =	vsub.f32 v14, v18;
	v15 =	vmul.f32 v15, v15;
	v16 =	vmul.f32 v16, v16  }
0x46: {  	v14 =	vld [tilespmem:s31+$0x21];
	v8 =	vadd.f32 v63, v8;
	v17 =	vsub.f32 v17, v19  }
0x47: {  	s16 =	simm.s32 $0x0;
	s17 =	simm.s32 $0x4140;
	v7 =	vadd.f32 v15, v7;
	v9 =	vadd.f32 v16, v9;
	v15 =	vld [tilespmem:s31+$0xFFFFFFC0];
	v16 =	vmul.f32 v18, v18  }
.LBB2_5:
0x48: {  	v18 =	vld [tilespmem:s17+$0x30]  }
0x49: {  	s16 =	sadd.s32 $0x80, s16;
	v19 =	vld [tilespmem:s17+$0x31];
	v6 =	vadd.f32 v16, v6;
	v16 =	vmul.f32 v17, v17;
	v10 =	vsub.f32 v10, v12  }
0x4a: {  	p0 =	slt.u32 s16, $0x3F80;
	v12 =	vld [tilespmem:s17+$0xFFFFFFC1]  }
0x4b: {  	v17 =	vld [tilespmem:s17+$0xFFFFFFD0];
	v5 =	vadd.f32 v16, v5;
	v10 =	vmul.f32 v10, v10;
	v13 =	vsub.f32 v13, v14  }
0x4c: {  	v14 =	vld [tilespmem:s17+$0xFFFFFFD1];
	v20 =	vsub.f32 v15, v11  }
0x4d: {  	v15 =	vld [tilespmem:s17+$0xFFFFFFE0];
	v3 =	vadd.f32 v10, v3;
	v10 =	vmul.f32 v13, v13  }
0x4e: {  	v13 =	vld [tilespmem:s17+$0xFFFFFFE1];
	v16 =	vsub.f32 v18, v19;
	v18 =	vmul.f32 v20, v20  }
0x4f: {  	v19 =	vld [tilespmem:s17+$0xFFFFFFF0];
	v2 =	vadd.f32 v10, v2;
	v11 =	vmov v12  }
0x50: {  	v20 =	vld [tilespmem:s17+$0xFFFFFFF1];
	v10 =	vmul.f32 v1, v16;
	v4 =	vadd.f32 v18, v4  }
0x51: {  	v12 =	vsub.f32 v17, v14;
	v17 =	vld [tilespmem:s17+$0x0]  }
0x52: {  	v18 =	vld [tilespmem:s17+$0x1];
	v14 =	vmul.f32 v10, v10  }
.Ltmp1:
0x53: {  	v16 =	vmul.f32 v12, v12;
	v13 =	vsub.f32 v15, v13;
	v10 =	vld [tilespmem:s17+$0x10];
	(pc) =	sbr.rel @p0 .LBB2_5-.Ltmp1, $4  }
0x54: {  	v12 =	vld [tilespmem:s17+$0x11];
	v7 =	vadd.f32 v14, v7  }
0x55: {  	v9 =	vadd.f32 v16, v9;
	v16 =	vmul.f32 v13, v13;
	v19 =	vsub.f32 v19, v20;
	v13 =	vld [tilespmem:s17+$0x20]  }
0x56: {  	v14 =	vld [tilespmem:s17+$0x21]  }
0x57: {  	v15 =	vld [tilespmem:s17+$0xFFFFFFC0];
	v8 =	vadd.f32 v16, v8;
	v16 =	vmul.f32 v19, v19;
	v17 =	vsub.f32 v17, v18;
	s17 =	sadd.s32 $0x80, s17  }
0x58: {  	_ =	sdelay $0x1  }
0x59: {  	s15 =	sadd.s32 $0x1, s15  }
0x5a: {  	v10 =	vsub.f32 v10, v12;
	p0 =	sne.s32 s15, $0xD  }
.Ltmp2:
0x5b: {  	v62 =	vsub.f32 v13, v14;
	v11 =	vsub.f32 v15, v11;
	(pc) =	sbr.rel @p0 .LBB2_2-.Ltmp2, $4  }
0x5c: {  	v63 =	vmul.f32 v17, v17;
	v10 =	vmul.f32 v10, v10  }
0x5d: {  	v6 =	vadd.f32 v16, v6;
	v12 =	vmul.f32 v62, v62;
	v11 =	vmul.f32 v11, v11  }
0x5e: {  	v5 =	vadd.f32 v63, v5;
	v3 =	vadd.f32 v10, v3  }
0x5f: {  	v2 =	vadd.f32 v12, v2;
	v4 =	vadd.f32 v11, v4  }
0x60: {  	v6 =	vadd.f32 v6, v8;
	v3 =	vadd.f32 v3, v5  }
0x61: {  	v4 =	vadd.f32 v9, v4;
	v2 =	vadd.f32 v7, v2;
	_ =	sdelay $0x1  }
0x62: {  	v4 =	vadd.f32 v6, v4;
	v2 =	vadd.f32 v2, v3;
	_ =	sdelay $0x1  }
0x63: {  	s14 =	sadd.s32 $0x1, s14;
	v2 =	vadd.f32 v2, v4  }
0x64: {  	p0 =	sne.s32 s14, s8  }
.Ltmp3:
0x65: {  	[tilespmem:$0x8100] =	vst v2;
	(pc) =	sbr.rel @p0 .LBB2_1-.Ltmp3, $4  }
0x66: {  	[hbm4b:s7+s3] =	stream.linear.scatter [tilespmem:s12], [sflag:$0x3], $0x80, $0x38;
	[tilespmem:$0x8180] =	vst v63  }
0x67: {  	_ =	swait.ge [sflag:s13], $0x80  }
0x68: {  	[sflag:s13] =	ssyncset.done $0x0  }
0x69: {  	[sflag:s13] =	ssyncadd.s32 $0xFFFFFF80  }
0x6a: {  	_ =	sfence.sel $0x180000  }
0x6b: {  	[bflag:$0x0] =	sbarrier.arrive $0xFFFF  }
0x6c: {  	p0 =	sne.s32 s0, $0x0;
	_ =	strace $0x90000047  }
0x6d: {  	s0 =	sadd.s32 @!p0 $0x100000, s1;
	[bflag:$0x2] =	sbarrier.arrive $0xFFFF  }
0x6e: {  	[sflag:s0] =	ssyncadd.tile.s32 @!p0 $0x1;
	_ =	shalt  }
.Lfunc_end2:
_tile_overlayer_lowered:
.L_overlay_start_2:
0x6f: {  	(tag) =	ssettag $0x2  }
0x70: {  	s0 =	rddreg [dreg:$0x0];
	s2 =	stileid.u32  }
0x71: {  	s1 =	rddreg [dreg:$0x1];
	p0 =	sne.s32 s2, $0x0  }
0x72: {  	s3 =	rddreg [dreg:$0x2];
	[bflag:$0x3] =	sbarrier.arrive $0xFFFF;
	s2 =	simm.s32 @!p0 $0x1C03  }
0x73: {  	[timem:s3], [sflag:s2] =	dma.local @!p0 [hbm:s0], s1  }
0x74: {  	s0 =	simm.s32 @!p0 $0x3  }
0x75: {  	_ =	swait.ge @!p0 [sflag:s0], s1  }
0x76: {  	s1 =	ssub.s32 @!p0 $0x0, s1;
	[sflag:s0] =	ssyncset.done @!p0 $0x0  }
0x77: {  	[sflag:s0] =	ssyncadd.s32 @!p0 s1  }
0x78: {  	[bflag:$0x3] =	sbarrier.arrive $0xFFFF  }
0x79: {  	_ =	shalt  }

</sc_bundles>
